<compile_context>
chip_gen: v7x
topology: tpu7x:2x2x1
jax: 0.10.2.dev20260603
libtpu: 0.0.44.dev20260713+nightly
codegen_flags: <defaults>
</compile_context>

<pallas_src>
import functools

import jax
import jax.numpy as jnp
from jax import lax
from jax.experimental import pallas as pl
from jax.experimental.pallas import tpu as pltpu
from jax.experimental.pallas import tpu_sc as plsc

EMB = 128


@functools.cache
def _build_gather(B, T):
    info = plsc.get_sparse_core_info()
    NC, NS = info.num_cores, info.num_subcores
    NW = NC * NS
    b_per_w = B // NW
    NB = 8
    G = b_per_w // NB
    assert B % NW == 0 and b_per_w % NB == 0 and G % 2 == 0 and G >= 6

    mesh = plsc.VectorSubcoreMesh(core_axis_name="c", subcore_axis_name="s")

    @functools.partial(
        pl.kernel,
        mesh=mesh,
        out_type=jax.ShapeDtypeStruct((B, T, EMB), jnp.float32),
        scratch_types=[
            pltpu.VMEM((2, NB, T), jnp.int32),
            pltpu.VMEM((2, NB, T, EMB), jnp.float32),
            pltpu.SemaphoreType.DMA,
            pltpu.SemaphoreType.DMA,
            pltpu.SemaphoreType.DMA,
            pltpu.SemaphoreType.DMA,
            pltpu.SemaphoreType.DMA,
            pltpu.SemaphoreType.DMA,
        ],
    )
    def gather_kernel(x_hbm, table_hbm, out_hbm, idx_v, rows_v,
                      gsem0, gsem1, osem0, osem1, isem0, isem1):
        gsem = (gsem0, gsem1)
        osem = (osem0, osem1)
        isem = (isem0, isem1)
        wid = lax.axis_index("s") * NC + lax.axis_index("c")
        base = wid * b_per_w

        def start_idx(c, u):
            pltpu.async_copy(
                x_hbm.at[pl.ds(base + c * NB, NB)], idx_v.at[u], isem[u]
            )

        def wait_idx(u):
            pltpu.make_async_copy(
                x_hbm.at[pl.ds(base, NB)], idx_v.at[u], isem[u]
            ).wait()

        def start_gather(c, u):
            for j in range(NB):
                pltpu.async_copy(
                    table_hbm.at[idx_v.at[u, j]],
                    rows_v.at[u, j],
                    gsem[u],
                )

        def wait_gather(u):
            pltpu.make_async_copy(
                out_hbm.at[pl.ds(0, NB)], rows_v.at[u], gsem[u]
            ).wait()

        def start_store(c, u):
            pltpu.async_copy(
                rows_v.at[u], out_hbm.at[pl.ds(base + c * NB, NB)], osem[u]
            )

        def wait_store(u):
            pltpu.make_async_copy(
                rows_v.at[u], out_hbm.at[pl.ds(base, NB)], osem[u]
            ).wait()

        start_idx(0, 0)
        start_idx(1, 1)
        wait_idx(0)
        start_gather(0, 0)
        wait_gather(0)
        start_idx(2, 0)
        start_store(0, 0)
        wait_idx(1)
        start_gather(1, 1)

        def body(t, carry):
            for i in range(2):
                c = 1 + 2 * t + i
                u = 1 - i
                wait_gather(u)
                start_idx(c + 2, u)
                start_store(c, u)
                wait_store(1 - u)
                wait_idx(1 - u)
                start_gather(c + 1, 1 - u)
            return carry

        lax.fori_loop(0, (G - 2) // 2 - 1, body, 0)

        for i in range(2):
            c = G - 3 + i
            u = 1 - i
            wait_gather(u)
            if c + 2 < G:
                start_idx(c + 2, u)
            start_store(c, u)
            wait_store(1 - u)
            wait_idx(1 - u)
            start_gather(c + 1, 1 - u)

        wait_gather(1)
        start_store(G - 1, 1)
        wait_store(0)
        wait_store(1)

    return gather_kernel


def kernel(x, encoding):
    B, T = x.shape
    return _build_gather(B, T)(x.astype(jnp.int32), encoding)

# --- scband reference (transcript-rebuilt; emitter-appended) ---
"""Pipeline reference for scband-pos-encoding-76639396430527 (READ-ONLY COPY).

The authoritative reference and input builder live on the scoring server;
editing this copy changes nothing except your own understanding.
"""

import jax, jax.numpy as jnp
import numpy as np

EMB_SIZE = 128
MAX_T = 100000

def _prepare_emb(emb_size, max_t):
    dim_axis = 10000.0 ** (jnp.arange(emb_size // 2, dtype=jnp.float32) * 2.0 / emb_size)
    timesteps = jnp.arange(max_t, dtype=jnp.float32)
    pos_enc_in = timesteps[:, None] / dim_axis[None, :]
    pos_enc_sin = jnp.sin(pos_enc_in)
    pos_enc_cos = jnp.cos(pos_enc_in)
    pos_enc = jnp.stack([pos_enc_sin, pos_enc_cos], axis=-1).reshape(max_t, emb_size)
    return pos_enc

def setup_inputs(seed: int = 0) -> dict:
    key = jax.random.key(seed)
    k1, _ = jax.random.split(key)
    x = jax.random.randint(k1, (16384, 50), 0, MAX_T, dtype=jnp.int64 if jax.config.jax_enable_x64 else jnp.int32)
    encoding = _prepare_emb(EMB_SIZE, MAX_T)
    return {"x": x, "encoding": encoding}

def reference(x, encoding):
    # forward: return self.encoding[x]
    return jnp.take(encoding, x, axis=0)

if __name__ == "__main__":
    import jax
    _d = setup_inputs()
    print(jax.jit(kernel)(*tuple(_d.values())))

</pallas_src>

<mosaic_0001>
#map = affine_map<(d0, d1) -> (0, 0)>
#map1 = affine_map<(d0, d1) -> (0, 0, 0)>
module attributes {stable_mosaic.version = 14 : i64} {
  func.func @gather_kernel(%arg0: i32, %arg1: i32, %arg2: memref<16384x50xi32, #tpu.memory_space<hbm>>, %arg3: memref<100000x128xf32, #tpu.memory_space<hbm>>, %arg4: memref<16384x50x128xf32, #tpu.memory_space<hbm>>, %arg5: memref<2x8x50xi32, #tpu.memory_space<vmem>>, %arg6: memref<2x8x50x128xf32, #tpu.memory_space<vmem>>, %arg7: memref<!tpu.dma_semaphore, #tpu.memory_space<semaphore_mem>>, %arg8: memref<!tpu.dma_semaphore, #tpu.memory_space<semaphore_mem>>, %arg9: memref<!tpu.dma_semaphore, #tpu.memory_space<semaphore_mem>>, %arg10: memref<!tpu.dma_semaphore, #tpu.memory_space<semaphore_mem>>, %arg11: memref<!tpu.dma_semaphore, #tpu.memory_space<semaphore_mem>>, %arg12: memref<!tpu.dma_semaphore, #tpu.memory_space<semaphore_mem>>) attributes {dimension_semantics = [#tpu.dimension_semantics<core_parallel>, #tpu.dimension_semantics<subcore_parallel>], iteration_bounds = array<i64: 2, 16>, scalar_prefetch = 0 : i64, scratch_operands = 8 : i64, tpu.core_type = #tpu.core_type<sc_vector_subcore>, window_params = [{transform_indices = #map}, {transform_indices = #map}, {transform_indices = #map1}]} {
    %mul3A = arith.constant 2 : i32
    %mul3A_0 = arith.muli %arg1, %mul3A : i32
    %add3A = arith.addi %mul3A_0, %arg0 : i32
    %mul3A_1 = arith.constant 512 : i32
    %mul3A_2 = arith.muli %add3A, %mul3A_1 : i32
    %add3A_3 = arith.constant 0 : i32
    %add3A_4 = arith.addi %mul3A_2, %add3A_3 : i32
    %dma_start3A = arith.constant 0 : i32
    %dma_start3A_5 = arith.constant 0 : i32
    %dma_start3A_6 = arith.constant 0 : i32
    %dma_start3A_7 = tpu.memref_slice %arg5[%dma_start3A, %dma_start3A_5, %dma_start3A_6] : memref<2x8x50xi32, #tpu.memory_space<vmem>> -> memref<1x8x50xi32, #tpu.memory_space<vmem>>
    %dma_start3A_8 = tpu.memref_squeeze %dma_start3A_7 : memref<1x8x50xi32, #tpu.memory_space<vmem>> -> memref<8x50xi32, #tpu.memory_space<vmem>>
    %dma_start3A_9 = arith.constant 0 : i32
    %dma_start3A_10 = tpu.memref_slice %arg2[%add3A_4, %dma_start3A_9] : memref<16384x50xi32, #tpu.memory_space<hbm>> -> memref<8x50xi32, #tpu.memory_space<hbm>>
    %dma_start3A_11 = arith.constant 0 : i32
    %dma_start3A_12 = arith.constant 0 : i32
    %dma_start3A_13 = tpu.memref_slice %arg5[%dma_start3A, %dma_start3A_11, %dma_start3A_12] : memref<2x8x50xi32, #tpu.memory_space<vmem>> -> memref<1x8x50xi32, #tpu.memory_space<vmem>>
    %dma_start3A_14 = tpu.memref_squeeze %dma_start3A_13 : memref<1x8x50xi32, #tpu.memory_space<vmem>> -> memref<8x50xi32, #tpu.memory_space<vmem>>
    %dma_start3A_15 = arith.constant 0 : i32
    %dma_start3A_16 = tpu.memref_slice %arg2[%add3A_4, %dma_start3A_15] : memref<16384x50xi32, #tpu.memory_space<hbm>> -> memref<8x50xi32, #tpu.memory_space<hbm>>
    tpu.enqueue_dma source(%dma_start3A_16 : memref<8x50xi32, #tpu.memory_space<hbm>>) target(%dma_start3A_14 : memref<8x50xi32, #tpu.memory_space<vmem>>) target_semaphore(%arg11 : memref<!tpu.dma_semaphore, #tpu.memory_space<semaphore_mem>>)
    %add3A_17 = arith.constant 8 : i32
    %add3A_18 = arith.addi %mul3A_2, %add3A_17 : i32
    %dma_start3A_19 = arith.constant 1 : i32
    %dma_start3A_20 = arith.constant 0 : i32
    %dma_start3A_21 = arith.constant 0 : i32
    %dma_start3A_22 = tpu.memref_slice %arg5[%dma_start3A_19, %dma_start3A_20, %dma_start3A_21] : memref<2x8x50xi32, #tpu.memory_space<vmem>> -> memref<1x8x50xi32, #tpu.memory_space<vmem>>
    %dma_start3A_23 = tpu.memref_squeeze %dma_start3A_22 : memref<1x8x50xi32, #tpu.memory_space<vmem>> -> memref<8x50xi32, #tpu.memory_space<vmem>>
    %dma_start3A_24 = arith.constant 0 : i32
    %dma_start3A_25 = tpu.memref_slice %arg2[%add3A_18, %dma_start3A_24] : memref<16384x50xi32, #tpu.memory_space<hbm>> -> memref<8x50xi32, #tpu.memory_space<hbm>>
    %dma_start3A_26 = arith.constant 0 : i32
    %dma_start3A_27 = arith.constant 0 : i32
    %dma_start3A_28 = tpu.memref_slice %arg5[%dma_start3A_19, %dma_start3A_26, %dma_start3A_27] : memref<2x8x50xi32, #tpu.memory_space<vmem>> -> memref<1x8x50xi32, #tpu.memory_space<vmem>>
    %dma_start3A_29 = tpu.memref_squeeze %dma_start3A_28 : memref<1x8x50xi32, #tpu.memory_space<vmem>> -> memref<8x50xi32, #tpu.memory_space<vmem>>
    %dma_start3A_30 = arith.constant 0 : i32
    %dma_start3A_31 = tpu.memref_slice %arg2[%add3A_18, %dma_start3A_30] : memref<16384x50xi32, #tpu.memory_space<hbm>> -> memref<8x50xi32, #tpu.memory_space<hbm>>
    tpu.enqueue_dma source(%dma_start3A_31 : memref<8x50xi32, #tpu.memory_space<hbm>>) target(%dma_start3A_29 : memref<8x50xi32, #tpu.memory_space<vmem>>) target_semaphore(%arg12 : memref<!tpu.dma_semaphore, #tpu.memory_space<semaphore_mem>>)
    %dma_wait3A = arith.constant 0 : i32
    %dma_wait3A_32 = arith.constant 0 : i32
    %dma_wait3A_33 = arith.constant 0 : i32
    %dma_wait3A_34 = tpu.memref_slice %arg5[%dma_wait3A, %dma_wait3A_32, %dma_wait3A_33] : memref<2x8x50xi32, #tpu.memory_space<vmem>> -> memref<1x8x50xi32, #tpu.memory_space<vmem>>
    %dma_wait3A_35 = tpu.memref_squeeze %dma_wait3A_34 : memref<1x8x50xi32, #tpu.memory_space<vmem>> -> memref<8x50xi32, #tpu.memory_space<vmem>>
    %dma_wait3A_36 = arith.constant 0 : i32
    %dma_wait3A_37 = tpu.memref_slice %arg2[%mul3A_2, %dma_wait3A_36] : memref<16384x50xi32, #tpu.memory_space<hbm>> -> memref<8x50xi32, #tpu.memory_space<hbm>>
    %dma_wait3A_38 = arith.constant 0 : i32
    %dma_wait3A_39 = arith.constant 0 : i32
    %dma_wait3A_40 = tpu.memref_slice %arg5[%dma_wait3A, %dma_wait3A_38, %dma_wait3A_39] : memref<2x8x50xi32, #tpu.memory_space<vmem>> -> memref<1x8x50xi32, #tpu.memory_space<vmem>>
    %dma_wait3A_41 = tpu.memref_squeeze %dma_wait3A_40 : memref<1x8x50xi32, #tpu.memory_space<vmem>> -> memref<8x50xi32, #tpu.memory_space<vmem>>
    %dma_wait3A_42 = arith.constant 0 : i32
    %dma_wait3A_43 = tpu.memref_slice %arg2[%mul3A_2, %dma_wait3A_42] : memref<16384x50xi32, #tpu.memory_space<hbm>> -> memref<8x50xi32, #tpu.memory_space<hbm>>
    tpu.wait_dma2 semaphore(%arg11 : memref<!tpu.dma_semaphore, #tpu.memory_space<semaphore_mem>>) src(%dma_wait3A_43 : memref<8x50xi32, #tpu.memory_space<hbm>>) dst(%dma_wait3A_41 : memref<8x50xi32, #tpu.memory_space<vmem>>)
    %dma_start3A_44 = arith.constant 0 : i32
    %dma_start3A_45 = arith.constant 0 : i32
    %dma_start3A_46 = arith.constant 0 : i32
    %dma_start3A_47 = arith.constant 0 : i32
    %dma_start3A_48 = arith.constant 0 : i32
    %dma_start3A_49 = arith.constant 0 : i32
    %dma_start3A_50 = tpu.memref_slice %arg6[%dma_start3A_46, %dma_start3A_47, %dma_start3A_48, %dma_start3A_49] : memref<2x8x50x128xf32, #tpu.memory_space<vmem>> -> memref<1x1x50x128xf32, #tpu.memory_space<vmem>>
    %dma_start3A_51 = tpu.memref_squeeze %dma_start3A_50 : memref<1x1x50x128xf32, #tpu.memory_space<vmem>> -> memref<50x128xf32, #tpu.memory_space<vmem>>
    %dma_start3A_52 = arith.constant 0 : i32
    %dma_start3A_53 = tpu.memref_slice %arg5[%dma_start3A_44, %dma_start3A_45, %dma_start3A_52] : memref<2x8x50xi32, #tpu.memory_space<vmem>> -> memref<1x1x50xi32, #tpu.memory_space<vmem>>
    %dma_start3A_54 = tpu.memref_squeeze %dma_start3A_53 : memref<1x1x50xi32, #tpu.memory_space<vmem>> -> memref<50xi32, #tpu.memory_space<vmem>>
    %dma_start3A_55 = arith.constant 0 : i32
    %dma_start3A_56 = arith.constant 0 : i32
    %dma_start3A_57 = tpu.memref_slice %arg3[%dma_start3A_55, %dma_start3A_56] : memref<100000x128xf32, #tpu.memory_space<hbm>> -> memref<100000x128xf32, #tpu.memory_space<hbm>>
    tpu.enqueue_indirect_dma source(%dma_start3A_57 : memref<100000x128xf32, #tpu.memory_space<hbm>>) target(%dma_start3A_51 : memref<50x128xf32, #tpu.memory_space<vmem>>) offsets(%dma_start3A_54 : memref<50xi32, #tpu.memory_space<vmem>>) semaphore(%arg7 : memref<!tpu.dma_semaphore, #tpu.memory_space<semaphore_mem>>)
    %dma_start3A_58 = arith.constant 0 : i32
    %dma_start3A_59 = arith.constant 1 : i32
    %dma_start3A_60 = arith.constant 0 : i32
    %dma_start3A_61 = arith.constant 1 : i32
    %dma_start3A_62 = arith.constant 0 : i32
    %dma_start3A_63 = arith.constant 0 : i32
    %dma_start3A_64 = tpu.memref_slice %arg6[%dma_start3A_60, %dma_start3A_61, %dma_start3A_62, %dma_start3A_63] : memref<2x8x50x128xf32, #tpu.memory_space<vmem>> -> memref<1x1x50x128xf32, #tpu.memory_space<vmem>>
    %dma_start3A_65 = tpu.memref_squeeze %dma_start3A_64 : memref<1x1x50x128xf32, #tpu.memory_space<vmem>> -> memref<50x128xf32, #tpu.memory_space<vmem>>
    %dma_start3A_66 = arith.constant 0 : i32
    %dma_start3A_67 = tpu.memref_slice %arg5[%dma_start3A_58, %dma_start3A_59, %dma_start3A_66] : memref<2x8x50xi32, #tpu.memory_space<vmem>> -> memref<1x1x50xi32, #tpu.memory_space<vmem>>
    %dma_start3A_68 = tpu.memref_squeeze %dma_start3A_67 : memref<1x1x50xi32, #tpu.memory_space<vmem>> -> memref<50xi32, #tpu.memory_space<vmem>>
    %dma_start3A_69 = arith.constant 0 : i32
    %dma_start3A_70 = arith.constant 0 : i32
    %dma_start3A_71 = tpu.memref_slice %arg3[%dma_start3A_69, %dma_start3A_70] : memref<100000x128xf32, #tpu.memory_space<hbm>> -> memref<100000x128xf32, #tpu.memory_space<hbm>>
    tpu.enqueue_indirect_dma source(%dma_start3A_71 : memref<100000x128xf32, #tpu.memory_space<hbm>>) target(%dma_start3A_65 : memref<50x128xf32, #tpu.memory_space<vmem>>) offsets(%dma_start3A_68 : memref<50xi32, #tpu.memory_space<vmem>>) semaphore(%arg7 : memref<!tpu.dma_semaphore, #tpu.memory_space<semaphore_mem>>)
    %dma_start3A_72 = arith.constant 0 : i32
    %dma_start3A_73 = arith.constant 2 : i32
    %dma_start3A_74 = arith.constant 0 : i32
    %dma_start3A_75 = arith.constant 2 : i32
    %dma_start3A_76 = arith.constant 0 : i32
    %dma_start3A_77 = arith.constant 0 : i32
    %dma_start3A_78 = tpu.memref_slice %arg6[%dma_start3A_74, %dma_start3A_75, %dma_start3A_76, %dma_start3A_77] : memref<2x8x50x128xf32, #tpu.memory_space<vmem>> -> memref<1x1x50x128xf32, #tpu.memory_space<vmem>>
    %dma_start3A_79 = tpu.memref_squeeze %dma_start3A_78 : memref<1x1x50x128xf32, #tpu.memory_space<vmem>> -> memref<50x128xf32, #tpu.memory_space<vmem>>
    %dma_start3A_80 = arith.constant 0 : i32
    %dma_start3A_81 = tpu.memref_slice %arg5[%dma_start3A_72, %dma_start3A_73, %dma_start3A_80] : memref<2x8x50xi32, #tpu.memory_space<vmem>> -> memref<1x1x50xi32, #tpu.memory_space<vmem>>
    %dma_start3A_82 = tpu.memref_squeeze %dma_start3A_81 : memref<1x1x50xi32, #tpu.memory_space<vmem>> -> memref<50xi32, #tpu.memory_space<vmem>>
    %dma_start3A_83 = arith.constant 0 : i32
    %dma_start3A_84 = arith.constant 0 : i32
    %dma_start3A_85 = tpu.memref_slice %arg3[%dma_start3A_83, %dma_start3A_84] : memref<100000x128xf32, #tpu.memory_space<hbm>> -> memref<100000x128xf32, #tpu.memory_space<hbm>>
    tpu.enqueue_indirect_dma source(%dma_start3A_85 : memref<100000x128xf32, #tpu.memory_space<hbm>>) target(%dma_start3A_79 : memref<50x128xf32, #tpu.memory_space<vmem>>) offsets(%dma_start3A_82 : memref<50xi32, #tpu.memory_space<vmem>>) semaphore(%arg7 : memref<!tpu.dma_semaphore, #tpu.memory_space<semaphore_mem>>)
    %dma_start3A_86 = arith.constant 0 : i32
    %dma_start3A_87 = arith.constant 3 : i32
    %dma_start3A_88 = arith.constant 0 : i32
    %dma_start3A_89 = arith.constant 3 : i32
    %dma_start3A_90 = arith.constant 0 : i32
    %dma_start3A_91 = arith.constant 0 : i32
    %dma_start3A_92 = tpu.memref_slice %arg6[%dma_start3A_88, %dma_start3A_89, %dma_start3A_90, %dma_start3A_91] : memref<2x8x50x128xf32, #tpu.memory_space<vmem>> -> memref<1x1x50x128xf32, #tpu.memory_space<vmem>>
    %dma_start3A_93 = tpu.memref_squeeze %dma_start3A_92 : memref<1x1x50x128xf32, #tpu.memory_space<vmem>> -> memref<50x128xf32, #tpu.memory_space<vmem>>
    %dma_start3A_94 = arith.constant 0 : i32
    %dma_start3A_95 = tpu.memref_slice %arg5[%dma_start3A_86, %dma_start3A_87, %dma_start3A_94] : memref<2x8x50xi32, #tpu.memory_space<vmem>> -> memref<1x1x50xi32, #tpu.memory_space<vmem>>
    %dma_start3A_96 = tpu.memref_squeeze %dma_start3A_95 : memref<1x1x50xi32, #tpu.memory_space<vmem>> -> memref<50xi32, #tpu.memory_space<vmem>>
    %dma_start3A_97 = arith.constant 0 : i32
    %dma_start3A_98 = arith.constant 0 : i32
    %dma_start3A_99 = tpu.memref_slice %arg3[%dma_start3A_97, %dma_start3A_98] : memref<100000x128xf32, #tpu.memory_space<hbm>> -> memref<100000x128xf32, #tpu.memory_space<hbm>>
    tpu.enqueue_indirect_dma source(%dma_start3A_99 : memref<100000x128xf32, #tpu.memory_space<hbm>>) target(%dma_start3A_93 : memref<50x128xf32, #tpu.memory_space<vmem>>) offsets(%dma_start3A_96 : memref<50xi32, #tpu.memory_space<vmem>>) semaphore(%arg7 : memref<!tpu.dma_semaphore, #tpu.memory_space<semaphore_mem>>)
    %dma_start3A_100 = arith.constant 0 : i32
    %dma_start3A_101 = arith.constant 4 : i32
    %dma_start3A_102 = arith.constant 0 : i32
    %dma_start3A_103 = arith.constant 4 : i32
    %dma_start3A_104 = arith.constant 0 : i32
    %dma_start3A_105 = arith.constant 0 : i32
    %dma_start3A_106 = tpu.memref_slice %arg6[%dma_start3A_102, %dma_start3A_103, %dma_start3A_104, %dma_start3A_105] : memref<2x8x50x128xf32, #tpu.memory_space<vmem>> -> memref<1x1x50x128xf32, #tpu.memory_space<vmem>>
    %dma_start3A_107 = tpu.memref_squeeze %dma_start3A_106 : memref<1x1x50x128xf32, #tpu.memory_space<vmem>> -> memref<50x128xf32, #tpu.memory_space<vmem>>
    %dma_start3A_108 = arith.constant 0 : i32
    %dma_start3A_109 = tpu.memref_slice %arg5[%dma_start3A_100, %dma_start3A_101, %dma_start3A_108] : memref<2x8x50xi32, #tpu.memory_space<vmem>> -> memref<1x1x50xi32, #tpu.memory_space<vmem>>
    %dma_start3A_110 = tpu.memref_squeeze %dma_start3A_109 : memref<1x1x50xi32, #tpu.memory_space<vmem>> -> memref<50xi32, #tpu.memory_space<vmem>>
    %dma_start3A_111 = arith.constant 0 : i32
    %dma_start3A_112 = arith.constant 0 : i32
    %dma_start3A_113 = tpu.memref_slice %arg3[%dma_start3A_111, %dma_start3A_112] : memref<100000x128xf32, #tpu.memory_space<hbm>> -> memref<100000x128xf32, #tpu.memory_space<hbm>>
    tpu.enqueue_indirect_dma source(%dma_start3A_113 : memref<100000x128xf32, #tpu.memory_space<hbm>>) target(%dma_start3A_107 : memref<50x128xf32, #tpu.memory_space<vmem>>) offsets(%dma_start3A_110 : memref<50xi32, #tpu.memory_space<vmem>>) semaphore(%arg7 : memref<!tpu.dma_semaphore, #tpu.memory_space<semaphore_mem>>)
    %dma_start3A_114 = arith.constant 0 : i32
    %dma_start3A_115 = arith.constant 5 : i32
    %dma_start3A_116 = arith.constant 0 : i32
    %dma_start3A_117 = arith.constant 5 : i32
    %dma_start3A_118 = arith.constant 0 : i32
    %dma_start3A_119 = arith.constant 0 : i32
    %dma_start3A_120 = tpu.memref_slice %arg6[%dma_start3A_116, %dma_start3A_117, %dma_start3A_118, %dma_start3A_119] : memref<2x8x50x128xf32, #tpu.memory_space<vmem>> -> memref<1x1x50x128xf32, #tpu.memory_space<vmem>>
    %dma_start3A_121 = tpu.memref_squeeze %dma_start3A_120 : memref<1x1x50x128xf32, #tpu.memory_space<vmem>> -> memref<50x128xf32, #tpu.memory_space<vmem>>
    %dma_start3A_122 = arith.constant 0 : i32
    %dma_start3A_123 = tpu.memref_slice %arg5[%dma_start3A_114, %dma_start3A_115, %dma_start3A_122] : memref<2x8x50xi32, #tpu.memory_space<vmem>> -> memref<1x1x50xi32, #tpu.memory_space<vmem>>
    %dma_start3A_124 = tpu.memref_squeeze %dma_start3A_123 : memref<1x1x50xi32, #tpu.memory_space<vmem>> -> memref<50xi32, #tpu.memory_space<vmem>>
    %dma_start3A_125 = arith.constant 0 : i32
    %dma_start3A_126 = arith.constant 0 : i32
    %dma_start3A_127 = tpu.memref_slice %arg3[%dma_start3A_125, %dma_start3A_126] : memref<100000x128xf32, #tpu.memory_space<hbm>> -> memref<100000x128xf32, #tpu.memory_space<hbm>>
    tpu.enqueue_indirect_dma source(%dma_start3A_127 : memref<100000x128xf32, #tpu.memory_space<hbm>>) target(%dma_start3A_121 : memref<50x128xf32, #tpu.memory_space<vmem>>) offsets(%dma_start3A_124 : memref<50xi32, #tpu.memory_space<vmem>>) semaphore(%arg7 : memref<!tpu.dma_semaphore, #tpu.memory_space<semaphore_mem>>)
    %dma_start3A_128 = arith.constant 0 : i32
    %dma_start3A_129 = arith.constant 6 : i32
    %dma_start3A_130 = arith.constant 0 : i32
    %dma_start3A_131 = arith.constant 6 : i32
    %dma_start3A_132 = arith.constant 0 : i32
    %dma_start3A_133 = arith.constant 0 : i32
    %dma_start3A_134 = tpu.memref_slice %arg6[%dma_start3A_130, %dma_start3A_131, %dma_start3A_132, %dma_start3A_133] : memref<2x8x50x128xf32, #tpu.memory_space<vmem>> -> memref<1x1x50x128xf32, #tpu.memory_space<vmem>>
    %dma_start3A_135 = tpu.memref_squeeze %dma_start3A_134 : memref<1x1x50x128xf32, #tpu.memory_space<vmem>> -> memref<50x128xf32, #tpu.memory_space<vmem>>
    %dma_start3A_136 = arith.constant 0 : i32
    %dma_start3A_137 = tpu.memref_slice %arg5[%dma_start3A_128, %dma_start3A_129, %dma_start3A_136] : memref<2x8x50xi32, #tpu.memory_space<vmem>> -> memref<1x1x50xi32, #tpu.memory_space<vmem>>
    %dma_start3A_138 = tpu.memref_squeeze %dma_start3A_137 : memref<1x1x50xi32, #tpu.memory_space<vmem>> -> memref<50xi32, #tpu.memory_space<vmem>>
    %dma_start3A_139 = arith.constant 0 : i32
    %dma_start3A_140 = arith.constant 0 : i32
    %dma_start3A_141 = tpu.memref_slice %arg3[%dma_start3A_139, %dma_start3A_140] : memref<100000x128xf32, #tpu.memory_space<hbm>> -> memref<100000x128xf32, #tpu.memory_space<hbm>>
    tpu.enqueue_indirect_dma source(%dma_start3A_141 : memref<100000x128xf32, #tpu.memory_space<hbm>>) target(%dma_start3A_135 : memref<50x128xf32, #tpu.memory_space<vmem>>) offsets(%dma_start3A_138 : memref<50xi32, #tpu.memory_space<vmem>>) semaphore(%arg7 : memref<!tpu.dma_semaphore, #tpu.memory_space<semaphore_mem>>)
    %dma_start3A_142 = arith.constant 0 : i32
    %dma_start3A_143 = arith.constant 7 : i32
    %dma_start3A_144 = arith.constant 0 : i32
    %dma_start3A_145 = arith.constant 7 : i32
    %dma_start3A_146 = arith.constant 0 : i32
    %dma_start3A_147 = arith.constant 0 : i32
    %dma_start3A_148 = tpu.memref_slice %arg6[%dma_start3A_144, %dma_start3A_145, %dma_start3A_146, %dma_start3A_147] : memref<2x8x50x128xf32, #tpu.memory_space<vmem>> -> memref<1x1x50x128xf32, #tpu.memory_space<vmem>>
    %dma_start3A_149 = tpu.memref_squeeze %dma_start3A_148 : memref<1x1x50x128xf32, #tpu.memory_space<vmem>> -> memref<50x128xf32, #tpu.memory_space<vmem>>
    %dma_start3A_150 = arith.constant 0 : i32
    %dma_start3A_151 = tpu.memref_slice %arg5[%dma_start3A_142, %dma_start3A_143, %dma_start3A_150] : memref<2x8x50xi32, #tpu.memory_space<vmem>> -> memref<1x1x50xi32, #tpu.memory_space<vmem>>
    %dma_start3A_152 = tpu.memref_squeeze %dma_start3A_151 : memref<1x1x50xi32, #tpu.memory_space<vmem>> -> memref<50xi32, #tpu.memory_space<vmem>>
    %dma_start3A_153 = arith.constant 0 : i32
    %dma_start3A_154 = arith.constant 0 : i32
    %dma_start3A_155 = tpu.memref_slice %arg3[%dma_start3A_153, %dma_start3A_154] : memref<100000x128xf32, #tpu.memory_space<hbm>> -> memref<100000x128xf32, #tpu.memory_space<hbm>>
    tpu.enqueue_indirect_dma source(%dma_start3A_155 : memref<100000x128xf32, #tpu.memory_space<hbm>>) target(%dma_start3A_149 : memref<50x128xf32, #tpu.memory_space<vmem>>) offsets(%dma_start3A_152 : memref<50xi32, #tpu.memory_space<vmem>>) semaphore(%arg7 : memref<!tpu.dma_semaphore, #tpu.memory_space<semaphore_mem>>)
    %dma_wait3A_156 = arith.constant 0 : i32
    %dma_wait3A_157 = arith.constant 0 : i32
    %dma_wait3A_158 = arith.constant 0 : i32
    %dma_wait3A_159 = arith.constant 0 : i32
    %dma_wait3A_160 = tpu.memref_slice %arg6[%dma_wait3A_156, %dma_wait3A_157, %dma_wait3A_158, %dma_wait3A_159] : memref<2x8x50x128xf32, #tpu.memory_space<vmem>> -> memref<1x8x50x128xf32, #tpu.memory_space<vmem>>
    %dma_wait3A_161 = tpu.memref_squeeze %dma_wait3A_160 : memref<1x8x50x128xf32, #tpu.memory_space<vmem>> -> memref<8x50x128xf32, #tpu.memory_space<vmem>>
    %dma_wait3A_162 = arith.constant 0 : i32
    %dma_wait3A_163 = arith.constant 0 : i32
    %dma_wait3A_164 = arith.constant 0 : i32
    %dma_wait3A_165 = tpu.memref_slice %arg4[%dma_wait3A_162, %dma_wait3A_163, %dma_wait3A_164] : memref<16384x50x128xf32, #tpu.memory_space<hbm>> -> memref<8x50x128xf32, #tpu.memory_space<hbm>>
    %dma_wait3A_166 = arith.constant 0 : i32
    %dma_wait3A_167 = arith.constant 0 : i32
    %dma_wait3A_168 = arith.constant 0 : i32
    %dma_wait3A_169 = tpu.memref_slice %arg6[%dma_wait3A_156, %dma_wait3A_166, %dma_wait3A_167, %dma_wait3A_168] : memref<2x8x50x128xf32, #tpu.memory_space<vmem>> -> memref<1x8x50x128xf32, #tpu.memory_space<vmem>>
    %dma_wait3A_170 = tpu.memref_squeeze %dma_wait3A_169 : memref<1x8x50x128xf32, #tpu.memory_space<vmem>> -> memref<8x50x128xf32, #tpu.memory_space<vmem>>
    %dma_wait3A_171 = arith.constant 0 : i32
    %dma_wait3A_172 = arith.constant 0 : i32
    %dma_wait3A_173 = arith.constant 0 : i32
    %dma_wait3A_174 = tpu.memref_slice %arg4[%dma_wait3A_171, %dma_wait3A_172, %dma_wait3A_173] : memref<16384x50x128xf32, #tpu.memory_space<hbm>> -> memref<8x50x128xf32, #tpu.memory_space<hbm>>
    tpu.wait_dma2 semaphore(%arg7 : memref<!tpu.dma_semaphore, #tpu.memory_space<semaphore_mem>>) src(%dma_wait3A_174 : memref<8x50x128xf32, #tpu.memory_space<hbm>>) dst(%dma_wait3A_170 : memref<8x50x128xf32, #tpu.memory_space<vmem>>)
    %add3A_175 = arith.constant 16 : i32
    %add3A_176 = arith.addi %mul3A_2, %add3A_175 : i32
    %dma_start3A_177 = arith.constant 0 : i32
    %dma_start3A_178 = arith.constant 0 : i32
    %dma_start3A_179 = arith.constant 0 : i32
    %dma_start3A_180 = tpu.memref_slice %arg5[%dma_start3A_177, %dma_start3A_178, %dma_start3A_179] : memref<2x8x50xi32, #tpu.memory_space<vmem>> -> memref<1x8x50xi32, #tpu.memory_space<vmem>>
    %dma_start3A_181 = tpu.memref_squeeze %dma_start3A_180 : memref<1x8x50xi32, #tpu.memory_space<vmem>> -> memref<8x50xi32, #tpu.memory_space<vmem>>
    %dma_start3A_182 = arith.constant 0 : i32
    %dma_start3A_183 = tpu.memref_slice %arg2[%add3A_176, %dma_start3A_182] : memref<16384x50xi32, #tpu.memory_space<hbm>> -> memref<8x50xi32, #tpu.memory_space<hbm>>
    %dma_start3A_184 = arith.constant 0 : i32
    %dma_start3A_185 = arith.constant 0 : i32
    %dma_start3A_186 = tpu.memref_slice %arg5[%dma_start3A_177, %dma_start3A_184, %dma_start3A_185] : memref<2x8x50xi32, #tpu.memory_space<vmem>> -> memref<1x8x50xi32, #tpu.memory_space<vmem>>
    %dma_start3A_187 = tpu.memref_squeeze %dma_start3A_186 : memref<1x8x50xi32, #tpu.memory_space<vmem>> -> memref<8x50xi32, #tpu.memory_space<vmem>>
    %dma_start3A_188 = arith.constant 0 : i32
    %dma_start3A_189 = tpu.memref_slice %arg2[%add3A_176, %dma_start3A_188] : memref<16384x50xi32, #tpu.memory_space<hbm>> -> memref<8x50xi32, #tpu.memory_space<hbm>>
    tpu.enqueue_dma source(%dma_start3A_189 : memref<8x50xi32, #tpu.memory_space<hbm>>) target(%dma_start3A_187 : memref<8x50xi32, #tpu.memory_space<vmem>>) target_semaphore(%arg11 : memref<!tpu.dma_semaphore, #tpu.memory_space<semaphore_mem>>)
    %add3A_190 = arith.constant 0 : i32
    %add3A_191 = arith.addi %mul3A_2, %add3A_190 : i32
    %dma_start3A_192 = arith.constant 0 : i32
    %dma_start3A_193 = arith.constant 0 : i32
    %dma_start3A_194 = arith.constant 0 : i32
    %dma_start3A_195 = arith.constant 0 : i32
    %dma_start3A_196 = tpu.memref_slice %arg6[%dma_start3A_192, %dma_start3A_193, %dma_start3A_194, %dma_start3A_195] : memref<2x8x50x128xf32, #tpu.memory_space<vmem>> -> memref<1x8x50x128xf32, #tpu.memory_space<vmem>>
    %dma_start3A_197 = tpu.memref_squeeze %dma_start3A_196 : memref<1x8x50x128xf32, #tpu.memory_space<vmem>> -> memref<8x50x128xf32, #tpu.memory_space<vmem>>
    %dma_start3A_198 = arith.constant 0 : i32
    %dma_start3A_199 = arith.constant 0 : i32
    %dma_start3A_200 = tpu.memref_slice %arg4[%add3A_191, %dma_start3A_198, %dma_start3A_199] : memref<16384x50x128xf32, #tpu.memory_space<hbm>> -> memref<8x50x128xf32, #tpu.memory_space<hbm>>
    %dma_start3A_201 = arith.constant 0 : i32
    %dma_start3A_202 = arith.constant 0 : i32
    %dma_start3A_203 = tpu.memref_slice %arg4[%add3A_191, %dma_start3A_201, %dma_start3A_202] : memref<16384x50x128xf32, #tpu.memory_space<hbm>> -> memref<8x50x128xf32, #tpu.memory_space<hbm>>
    %dma_start3A_204 = arith.constant 0 : i32
    %dma_start3A_205 = arith.constant 0 : i32
    %dma_start3A_206 = arith.constant 0 : i32
    %dma_start3A_207 = tpu.memref_slice %arg6[%dma_start3A_192, %dma_start3A_204, %dma_start3A_205, %dma_start3A_206] : memref<2x8x50x128xf32, #tpu.memory_space<vmem>> -> memref<1x8x50x128xf32, #tpu.memory_space<vmem>>
    %dma_start3A_208 = tpu.memref_squeeze %dma_start3A_207 : memref<1x8x50x128xf32, #tpu.memory_space<vmem>> -> memref<8x50x128xf32, #tpu.memory_space<vmem>>
    tpu.enqueue_dma source(%dma_start3A_208 : memref<8x50x128xf32, #tpu.memory_space<vmem>>) target(%dma_start3A_203 : memref<8x50x128xf32, #tpu.memory_space<hbm>>) target_semaphore(%arg9 : memref<!tpu.dma_semaphore, #tpu.memory_space<semaphore_mem>>)
    %dma_wait3A_209 = arith.constant 1 : i32
    %dma_wait3A_210 = arith.constant 0 : i32
    %dma_wait3A_211 = arith.constant 0 : i32
    %dma_wait3A_212 = tpu.memref_slice %arg5[%dma_wait3A_209, %dma_wait3A_210, %dma_wait3A_211] : memref<2x8x50xi32, #tpu.memory_space<vmem>> -> memref<1x8x50xi32, #tpu.memory_space<vmem>>
    %dma_wait3A_213 = tpu.memref_squeeze %dma_wait3A_212 : memref<1x8x50xi32, #tpu.memory_space<vmem>> -> memref<8x50xi32, #tpu.memory_space<vmem>>
    %dma_wait3A_214 = arith.constant 0 : i32
    %dma_wait3A_215 = tpu.memref_slice %arg2[%mul3A_2, %dma_wait3A_214] : memref<16384x50xi32, #tpu.memory_space<hbm>> -> memref<8x50xi32, #tpu.memory_space<hbm>>
    %dma_wait3A_216 = arith.constant 0 : i32
    %dma_wait3A_217 = arith.constant 0 : i32
    %dma_wait3A_218 = tpu.memref_slice %arg5[%dma_wait3A_209, %dma_wait3A_216, %dma_wait3A_217] : memref<2x8x50xi32, #tpu.memory_space<vmem>> -> memref<1x8x50xi32, #tpu.memory_space<vmem>>
    %dma_wait3A_219 = tpu.memref_squeeze %dma_wait3A_218 : memref<1x8x50xi32, #tpu.memory_space<vmem>> -> memref<8x50xi32, #tpu.memory_space<vmem>>
    %dma_wait3A_220 = arith.constant 0 : i32
    %dma_wait3A_221 = tpu.memref_slice %arg2[%mul3A_2, %dma_wait3A_220] : memref<16384x50xi32, #tpu.memory_space<hbm>> -> memref<8x50xi32, #tpu.memory_space<hbm>>
    tpu.wait_dma2 semaphore(%arg12 : memref<!tpu.dma_semaphore, #tpu.memory_space<semaphore_mem>>) src(%dma_wait3A_221 : memref<8x50xi32, #tpu.memory_space<hbm>>) dst(%dma_wait3A_219 : memref<8x50xi32, #tpu.memory_space<vmem>>)
    %dma_start3A_222 = arith.constant 1 : i32
    %dma_start3A_223 = arith.constant 0 : i32
    %dma_start3A_224 = arith.constant 1 : i32
    %dma_start3A_225 = arith.constant 0 : i32
    %dma_start3A_226 = arith.constant 0 : i32
    %dma_start3A_227 = arith.constant 0 : i32
    %dma_start3A_228 = tpu.memref_slice %arg6[%dma_start3A_224, %dma_start3A_225, %dma_start3A_226, %dma_start3A_227] : memref<2x8x50x128xf32, #tpu.memory_space<vmem>> -> memref<1x1x50x128xf32, #tpu.memory_space<vmem>>
    %dma_start3A_229 = tpu.memref_squeeze %dma_start3A_228 : memref<1x1x50x128xf32, #tpu.memory_space<vmem>> -> memref<50x128xf32, #tpu.memory_space<vmem>>
    %dma_start3A_230 = arith.constant 0 : i32
    %dma_start3A_231 = tpu.memref_slice %arg5[%dma_start3A_222, %dma_start3A_223, %dma_start3A_230] : memref<2x8x50xi32, #tpu.memory_space<vmem>> -> memref<1x1x50xi32, #tpu.memory_space<vmem>>
    %dma_start3A_232 = tpu.memref_squeeze %dma_start3A_231 : memref<1x1x50xi32, #tpu.memory_space<vmem>> -> memref<50xi32, #tpu.memory_space<vmem>>
    %dma_start3A_233 = arith.constant 0 : i32
    %dma_start3A_234 = arith.constant 0 : i32
    %dma_start3A_235 = tpu.memref_slice %arg3[%dma_start3A_233, %dma_start3A_234] : memref<100000x128xf32, #tpu.memory_space<hbm>> -> memref<100000x128xf32, #tpu.memory_space<hbm>>
    tpu.enqueue_indirect_dma source(%dma_start3A_235 : memref<100000x128xf32, #tpu.memory_space<hbm>>) target(%dma_start3A_229 : memref<50x128xf32, #tpu.memory_space<vmem>>) offsets(%dma_start3A_232 : memref<50xi32, #tpu.memory_space<vmem>>) semaphore(%arg8 : memref<!tpu.dma_semaphore, #tpu.memory_space<semaphore_mem>>)
    %dma_start3A_236 = arith.constant 1 : i32
    %dma_start3A_237 = arith.constant 1 : i32
    %dma_start3A_238 = arith.constant 1 : i32
    %dma_start3A_239 = arith.constant 1 : i32
    %dma_start3A_240 = arith.constant 0 : i32
    %dma_start3A_241 = arith.constant 0 : i32
    %dma_start3A_242 = tpu.memref_slice %arg6[%dma_start3A_238, %dma_start3A_239, %dma_start3A_240, %dma_start3A_241] : memref<2x8x50x128xf32, #tpu.memory_space<vmem>> -> memref<1x1x50x128xf32, #tpu.memory_space<vmem>>
    %dma_start3A_243 = tpu.memref_squeeze %dma_start3A_242 : memref<1x1x50x128xf32, #tpu.memory_space<vmem>> -> memref<50x128xf32, #tpu.memory_space<vmem>>
    %dma_start3A_244 = arith.constant 0 : i32
    %dma_start3A_245 = tpu.memref_slice %arg5[%dma_start3A_236, %dma_start3A_237, %dma_start3A_244] : memref<2x8x50xi32, #tpu.memory_space<vmem>> -> memref<1x1x50xi32, #tpu.memory_space<vmem>>
    %dma_start3A_246 = tpu.memref_squeeze %dma_start3A_245 : memref<1x1x50xi32, #tpu.memory_space<vmem>> -> memref<50xi32, #tpu.memory_space<vmem>>
    %dma_start3A_247 = arith.constant 0 : i32
    %dma_start3A_248 = arith.constant 0 : i32
    %dma_start3A_249 = tpu.memref_slice %arg3[%dma_start3A_247, %dma_start3A_248] : memref<100000x128xf32, #tpu.memory_space<hbm>> -> memref<100000x128xf32, #tpu.memory_space<hbm>>
    tpu.enqueue_indirect_dma source(%dma_start3A_249 : memref<100000x128xf32, #tpu.memory_space<hbm>>) target(%dma_start3A_243 : memref<50x128xf32, #tpu.memory_space<vmem>>) offsets(%dma_start3A_246 : memref<50xi32, #tpu.memory_space<vmem>>) semaphore(%arg8 : memref<!tpu.dma_semaphore, #tpu.memory_space<semaphore_mem>>)
    %dma_start3A_250 = arith.constant 1 : i32
    %dma_start3A_251 = arith.constant 2 : i32
    %dma_start3A_252 = arith.constant 1 : i32
    %dma_start3A_253 = arith.constant 2 : i32
    %dma_start3A_254 = arith.constant 0 : i32
    %dma_start3A_255 = arith.constant 0 : i32
    %dma_start3A_256 = tpu.memref_slice %arg6[%dma_start3A_252, %dma_start3A_253, %dma_start3A_254, %dma_start3A_255] : memref<2x8x50x128xf32, #tpu.memory_space<vmem>> -> memref<1x1x50x128xf32, #tpu.memory_space<vmem>>
    %dma_start3A_257 = tpu.memref_squeeze %dma_start3A_256 : memref<1x1x50x128xf32, #tpu.memory_space<vmem>> -> memref<50x128xf32, #tpu.memory_space<vmem>>
    %dma_start3A_258 = arith.constant 0 : i32
    %dma_start3A_259 = tpu.memref_slice %arg5[%dma_start3A_250, %dma_start3A_251, %dma_start3A_258] : memref<2x8x50xi32, #tpu.memory_space<vmem>> -> memref<1x1x50xi32, #tpu.memory_space<vmem>>
    %dma_start3A_260 = tpu.memref_squeeze %dma_start3A_259 : memref<1x1x50xi32, #tpu.memory_space<vmem>> -> memref<50xi32, #tpu.memory_space<vmem>>
    %dma_start3A_261 = arith.constant 0 : i32
    %dma_start3A_262 = arith.constant 0 : i32
    %dma_start3A_263 = tpu.memref_slice %arg3[%dma_start3A_261, %dma_start3A_262] : memref<100000x128xf32, #tpu.memory_space<hbm>> -> memref<100000x128xf32, #tpu.memory_space<hbm>>
    tpu.enqueue_indirect_dma source(%dma_start3A_263 : memref<100000x128xf32, #tpu.memory_space<hbm>>) target(%dma_start3A_257 : memref<50x128xf32, #tpu.memory_space<vmem>>) offsets(%dma_start3A_260 : memref<50xi32, #tpu.memory_space<vmem>>) semaphore(%arg8 : memref<!tpu.dma_semaphore, #tpu.memory_space<semaphore_mem>>)
    %dma_start3A_264 = arith.constant 1 : i32
    %dma_start3A_265 = arith.constant 3 : i32
    %dma_start3A_266 = arith.constant 1 : i32
    %dma_start3A_267 = arith.constant 3 : i32
    %dma_start3A_268 = arith.constant 0 : i32
    %dma_start3A_269 = arith.constant 0 : i32
    %dma_start3A_270 = tpu.memref_slice %arg6[%dma_start3A_266, %dma_start3A_267, %dma_start3A_268, %dma_start3A_269] : memref<2x8x50x128xf32, #tpu.memory_space<vmem>> -> memref<1x1x50x128xf32, #tpu.memory_space<vmem>>
    %dma_start3A_271 = tpu.memref_squeeze %dma_start3A_270 : memref<1x1x50x128xf32, #tpu.memory_space<vmem>> -> memref<50x128xf32, #tpu.memory_space<vmem>>
    %dma_start3A_272 = arith.constant 0 : i32
    %dma_start3A_273 = tpu.memref_slice %arg5[%dma_start3A_264, %dma_start3A_265, %dma_start3A_272] : memref<2x8x50xi32, #tpu.memory_space<vmem>> -> memref<1x1x50xi32, #tpu.memory_space<vmem>>
    %dma_start3A_274 = tpu.memref_squeeze %dma_start3A_273 : memref<1x1x50xi32, #tpu.memory_space<vmem>> -> memref<50xi32, #tpu.memory_space<vmem>>
    %dma_start3A_275 = arith.constant 0 : i32
    %dma_start3A_276 = arith.constant 0 : i32
    %dma_start3A_277 = tpu.memref_slice %arg3[%dma_start3A_275, %dma_start3A_276] : memref<100000x128xf32, #tpu.memory_space<hbm>> -> memref<100000x128xf32, #tpu.memory_space<hbm>>
    tpu.enqueue_indirect_dma source(%dma_start3A_277 : memref<100000x128xf32, #tpu.memory_space<hbm>>) target(%dma_start3A_271 : memref<50x128xf32, #tpu.memory_space<vmem>>) offsets(%dma_start3A_274 : memref<50xi32, #tpu.memory_space<vmem>>) semaphore(%arg8 : memref<!tpu.dma_semaphore, #tpu.memory_space<semaphore_mem>>)
    %dma_start3A_278 = arith.constant 1 : i32
    %dma_start3A_279 = arith.constant 4 : i32
    %dma_start3A_280 = arith.constant 1 : i32
    %dma_start3A_281 = arith.constant 4 : i32
    %dma_start3A_282 = arith.constant 0 : i32
    %dma_start3A_283 = arith.constant 0 : i32
    %dma_start3A_284 = tpu.memref_slice %arg6[%dma_start3A_280, %dma_start3A_281, %dma_start3A_282, %dma_start3A_283] : memref<2x8x50x128xf32, #tpu.memory_space<vmem>> -> memref<1x1x50x128xf32, #tpu.memory_space<vmem>>
    %dma_start3A_285 = tpu.memref_squeeze %dma_start3A_284 : memref<1x1x50x128xf32, #tpu.memory_space<vmem>> -> memref<50x128xf32, #tpu.memory_space<vmem>>
    %dma_start3A_286 = arith.constant 0 : i32
    %dma_start3A_287 = tpu.memref_slice %arg5[%dma_start3A_278, %dma_start3A_279, %dma_start3A_286] : memref<2x8x50xi32, #tpu.memory_space<vmem>> -> memref<1x1x50xi32, #tpu.memory_space<vmem>>
    %dma_start3A_288 = tpu.memref_squeeze %dma_start3A_287 : memref<1x1x50xi32, #tpu.memory_space<vmem>> -> memref<50xi32, #tpu.memory_space<vmem>>
    %dma_start3A_289 = arith.constant 0 : i32
    %dma_start3A_290 = arith.constant 0 : i32
    %dma_start3A_291 = tpu.memref_slice %arg3[%dma_start3A_289, %dma_start3A_290] : memref<100000x128xf32, #tpu.memory_space<hbm>> -> memref<100000x128xf32, #tpu.memory_space<hbm>>
    tpu.enqueue_indirect_dma source(%dma_start3A_291 : memref<100000x128xf32, #tpu.memory_space<hbm>>) target(%dma_start3A_285 : memref<50x128xf32, #tpu.memory_space<vmem>>) offsets(%dma_start3A_288 : memref<50xi32, #tpu.memory_space<vmem>>) semaphore(%arg8 : memref<!tpu.dma_semaphore, #tpu.memory_space<semaphore_mem>>)
    %dma_start3A_292 = arith.constant 1 : i32
    %dma_start3A_293 = arith.constant 5 : i32
    %dma_start3A_294 = arith.constant 1 : i32
    %dma_start3A_295 = arith.constant 5 : i32
    %dma_start3A_296 = arith.constant 0 : i32
    %dma_start3A_297 = arith.constant 0 : i32
    %dma_start3A_298 = tpu.memref_slice %arg6[%dma_start3A_294, %dma_start3A_295, %dma_start3A_296, %dma_start3A_297] : memref<2x8x50x128xf32, #tpu.memory_space<vmem>> -> memref<1x1x50x128xf32, #tpu.memory_space<vmem>>
    %dma_start3A_299 = tpu.memref_squeeze %dma_start3A_298 : memref<1x1x50x128xf32, #tpu.memory_space<vmem>> -> memref<50x128xf32, #tpu.memory_space<vmem>>
    %dma_start3A_300 = arith.constant 0 : i32
    %dma_start3A_301 = tpu.memref_slice %arg5[%dma_start3A_292, %dma_start3A_293, %dma_start3A_300] : memref<2x8x50xi32, #tpu.memory_space<vmem>> -> memref<1x1x50xi32, #tpu.memory_space<vmem>>
    %dma_start3A_302 = tpu.memref_squeeze %dma_start3A_301 : memref<1x1x50xi32, #tpu.memory_space<vmem>> -> memref<50xi32, #tpu.memory_space<vmem>>
    %dma_start3A_303 = arith.constant 0 : i32
    %dma_start3A_304 = arith.constant 0 : i32
    %dma_start3A_305 = tpu.memref_slice %arg3[%dma_start3A_303, %dma_start3A_304] : memref<100000x128xf32, #tpu.memory_space<hbm>> -> memref<100000x128xf32, #tpu.memory_space<hbm>>
    tpu.enqueue_indirect_dma source(%dma_start3A_305 : memref<100000x128xf32, #tpu.memory_space<hbm>>) target(%dma_start3A_299 : memref<50x128xf32, #tpu.memory_space<vmem>>) offsets(%dma_start3A_302 : memref<50xi32, #tpu.memory_space<vmem>>) semaphore(%arg8 : memref<!tpu.dma_semaphore, #tpu.memory_space<semaphore_mem>>)
    %dma_start3A_306 = arith.constant 1 : i32
    %dma_start3A_307 = arith.constant 6 : i32
    %dma_start3A_308 = arith.constant 1 : i32
    %dma_start3A_309 = arith.constant 6 : i32
    %dma_start3A_310 = arith.constant 0 : i32
    %dma_start3A_311 = arith.constant 0 : i32
    %dma_start3A_312 = tpu.memref_slice %arg6[%dma_start3A_308, %dma_start3A_309, %dma_start3A_310, %dma_start3A_311] : memref<2x8x50x128xf32, #tpu.memory_space<vmem>> -> memref<1x1x50x128xf32, #tpu.memory_space<vmem>>
    %dma_start3A_313 = tpu.memref_squeeze %dma_start3A_312 : memref<1x1x50x128xf32, #tpu.memory_space<vmem>> -> memref<50x128xf32, #tpu.memory_space<vmem>>
    %dma_start3A_314 = arith.constant 0 : i32
    %dma_start3A_315 = tpu.memref_slice %arg5[%dma_start3A_306, %dma_start3A_307, %dma_start3A_314] : memref<2x8x50xi32, #tpu.memory_space<vmem>> -> memref<1x1x50xi32, #tpu.memory_space<vmem>>
    %dma_start3A_316 = tpu.memref_squeeze %dma_start3A_315 : memref<1x1x50xi32, #tpu.memory_space<vmem>> -> memref<50xi32, #tpu.memory_space<vmem>>
    %dma_start3A_317 = arith.constant 0 : i32
    %dma_start3A_318 = arith.constant 0 : i32
    %dma_start3A_319 = tpu.memref_slice %arg3[%dma_start3A_317, %dma_start3A_318] : memref<100000x128xf32, #tpu.memory_space<hbm>> -> memref<100000x128xf32, #tpu.memory_space<hbm>>
    tpu.enqueue_indirect_dma source(%dma_start3A_319 : memref<100000x128xf32, #tpu.memory_space<hbm>>) target(%dma_start3A_313 : memref<50x128xf32, #tpu.memory_space<vmem>>) offsets(%dma_start3A_316 : memref<50xi32, #tpu.memory_space<vmem>>) semaphore(%arg8 : memref<!tpu.dma_semaphore, #tpu.memory_space<semaphore_mem>>)
    %dma_start3A_320 = arith.constant 1 : i32
    %dma_start3A_321 = arith.constant 7 : i32
    %dma_start3A_322 = arith.constant 1 : i32
    %dma_start3A_323 = arith.constant 7 : i32
    %dma_start3A_324 = arith.constant 0 : i32
    %dma_start3A_325 = arith.constant 0 : i32
    %dma_start3A_326 = tpu.memref_slice %arg6[%dma_start3A_322, %dma_start3A_323, %dma_start3A_324, %dma_start3A_325] : memref<2x8x50x128xf32, #tpu.memory_space<vmem>> -> memref<1x1x50x128xf32, #tpu.memory_space<vmem>>
    %dma_start3A_327 = tpu.memref_squeeze %dma_start3A_326 : memref<1x1x50x128xf32, #tpu.memory_space<vmem>> -> memref<50x128xf32, #tpu.memory_space<vmem>>
    %dma_start3A_328 = arith.constant 0 : i32
    %dma_start3A_329 = tpu.memref_slice %arg5[%dma_start3A_320, %dma_start3A_321, %dma_start3A_328] : memref<2x8x50xi32, #tpu.memory_space<vmem>> -> memref<1x1x50xi32, #tpu.memory_space<vmem>>
    %dma_start3A_330 = tpu.memref_squeeze %dma_start3A_329 : memref<1x1x50xi32, #tpu.memory_space<vmem>> -> memref<50xi32, #tpu.memory_space<vmem>>
    %dma_start3A_331 = arith.constant 0 : i32
    %dma_start3A_332 = arith.constant 0 : i32
    %dma_start3A_333 = tpu.memref_slice %arg3[%dma_start3A_331, %dma_start3A_332] : memref<100000x128xf32, #tpu.memory_space<hbm>> -> memref<100000x128xf32, #tpu.memory_space<hbm>>
    tpu.enqueue_indirect_dma source(%dma_start3A_333 : memref<100000x128xf32, #tpu.memory_space<hbm>>) target(%dma_start3A_327 : memref<50x128xf32, #tpu.memory_space<vmem>>) offsets(%dma_start3A_330 : memref<50xi32, #tpu.memory_space<vmem>>) semaphore(%arg8 : memref<!tpu.dma_semaphore, #tpu.memory_space<semaphore_mem>>)
    %scan3A = arith.constant 0 : i32
    %scan3A_334 = arith.constant 0 : i32
    %scan3A_335 = arith.constant 30 : i32
    %scan3A_336 = arith.addi %scan3A_334, %scan3A_335 : i32
    %scan3A_337 = arith.constant 1 : i32
    scf.for %scan3A_786 = %scan3A_334 to %scan3A_336 step %scan3A_337  : i32 {
      %mul3A_787 = arith.constant 2 : i32
      %mul3A_788 = arith.muli %mul3A_787, %scan3A_786 : i32
      %add3A_789 = arith.constant 1 : i32
      %add3A_790 = arith.addi %add3A_789, %mul3A_788 : i32
      %add3A_791 = arith.constant 0 : i32
      %add3A_792 = arith.addi %add3A_790, %add3A_791 : i32
      %dma_wait3A_793 = arith.constant 1 : i32
      %dma_wait3A_794 = arith.constant 0 : i32
      %dma_wait3A_795 = arith.constant 0 : i32
      %dma_wait3A_796 = arith.constant 0 : i32
      %dma_wait3A_797 = tpu.memref_slice %arg6[%dma_wait3A_793, %dma_wait3A_794, %dma_wait3A_795, %dma_wait3A_796] : memref<2x8x50x128xf32, #tpu.memory_space<vmem>> -> memref<1x8x50x128xf32, #tpu.memory_space<vmem>>
      %dma_wait3A_798 = tpu.memref_squeeze %dma_wait3A_797 : memref<1x8x50x128xf32, #tpu.memory_space<vmem>> -> memref<8x50x128xf32, #tpu.memory_space<vmem>>
      %dma_wait3A_799 = arith.constant 0 : i32
      %dma_wait3A_800 = arith.constant 0 : i32
      %dma_wait3A_801 = arith.constant 0 : i32
      %dma_wait3A_802 = tpu.memref_slice %arg4[%dma_wait3A_799, %dma_wait3A_800, %dma_wait3A_801] : memref<16384x50x128xf32, #tpu.memory_space<hbm>> -> memref<8x50x128xf32, #tpu.memory_space<hbm>>
      %dma_wait3A_803 = arith.constant 0 : i32
      %dma_wait3A_804 = arith.constant 0 : i32
      %dma_wait3A_805 = arith.constant 0 : i32
      %dma_wait3A_806 = tpu.memref_slice %arg6[%dma_wait3A_793, %dma_wait3A_803, %dma_wait3A_804, %dma_wait3A_805] : memref<2x8x50x128xf32, #tpu.memory_space<vmem>> -> memref<1x8x50x128xf32, #tpu.memory_space<vmem>>
      %dma_wait3A_807 = tpu.memref_squeeze %dma_wait3A_806 : memref<1x8x50x128xf32, #tpu.memory_space<vmem>> -> memref<8x50x128xf32, #tpu.memory_space<vmem>>
      %dma_wait3A_808 = arith.constant 0 : i32
      %dma_wait3A_809 = arith.constant 0 : i32
      %dma_wait3A_810 = arith.constant 0 : i32
      %dma_wait3A_811 = tpu.memref_slice %arg4[%dma_wait3A_808, %dma_wait3A_809, %dma_wait3A_810] : memref<16384x50x128xf32, #tpu.memory_space<hbm>> -> memref<8x50x128xf32, #tpu.memory_space<hbm>>
      tpu.wait_dma2 semaphore(%arg8 : memref<!tpu.dma_semaphore, #tpu.memory_space<semaphore_mem>>) src(%dma_wait3A_811 : memref<8x50x128xf32, #tpu.memory_space<hbm>>) dst(%dma_wait3A_807 : memref<8x50x128xf32, #tpu.memory_space<vmem>>)
      %add3A_812 = arith.constant 2 : i32
      %add3A_813 = arith.addi %add3A_792, %add3A_812 : i32
      %mul3A_814 = arith.constant 8 : i32
      %mul3A_815 = arith.muli %add3A_813, %mul3A_814 : i32
      %add3A_816 = arith.addi %mul3A_2, %mul3A_815 : i32
      %dma_start3A_817 = arith.constant 1 : i32
      %dma_start3A_818 = arith.constant 0 : i32
      %dma_start3A_819 = arith.constant 0 : i32
      %dma_start3A_820 = tpu.memref_slice %arg5[%dma_start3A_817, %dma_start3A_818, %dma_start3A_819] : memref<2x8x50xi32, #tpu.memory_space<vmem>> -> memref<1x8x50xi32, #tpu.memory_space<vmem>>
      %dma_start3A_821 = tpu.memref_squeeze %dma_start3A_820 : memref<1x8x50xi32, #tpu.memory_space<vmem>> -> memref<8x50xi32, #tpu.memory_space<vmem>>
      %dma_start3A_822 = arith.constant 0 : i32
      %dma_start3A_823 = tpu.memref_slice %arg2[%add3A_816, %dma_start3A_822] : memref<16384x50xi32, #tpu.memory_space<hbm>> -> memref<8x50xi32, #tpu.memory_space<hbm>>
      %dma_start3A_824 = arith.constant 0 : i32
      %dma_start3A_825 = arith.constant 0 : i32
      %dma_start3A_826 = tpu.memref_slice %arg5[%dma_start3A_817, %dma_start3A_824, %dma_start3A_825] : memref<2x8x50xi32, #tpu.memory_space<vmem>> -> memref<1x8x50xi32, #tpu.memory_space<vmem>>
      %dma_start3A_827 = tpu.memref_squeeze %dma_start3A_826 : memref<1x8x50xi32, #tpu.memory_space<vmem>> -> memref<8x50xi32, #tpu.memory_space<vmem>>
      %dma_start3A_828 = arith.constant 0 : i32
      %dma_start3A_829 = tpu.memref_slice %arg2[%add3A_816, %dma_start3A_828] : memref<16384x50xi32, #tpu.memory_space<hbm>> -> memref<8x50xi32, #tpu.memory_space<hbm>>
      tpu.enqueue_dma source(%dma_start3A_829 : memref<8x50xi32, #tpu.memory_space<hbm>>) target(%dma_start3A_827 : memref<8x50xi32, #tpu.memory_space<vmem>>) target_semaphore(%arg12 : memref<!tpu.dma_semaphore, #tpu.memory_space<semaphore_mem>>)
      %mul3A_830 = arith.constant 8 : i32
      %mul3A_831 = arith.muli %add3A_792, %mul3A_830 : i32
      %add3A_832 = arith.addi %mul3A_2, %mul3A_831 : i32
      %dma_start3A_833 = arith.constant 1 : i32
      %dma_start3A_834 = arith.constant 0 : i32
      %dma_start3A_835 = arith.constant 0 : i32
      %dma_start3A_836 = arith.constant 0 : i32
      %dma_start3A_837 = tpu.memref_slice %arg6[%dma_start3A_833, %dma_start3A_834, %dma_start3A_835, %dma_start3A_836] : memref<2x8x50x128xf32, #tpu.memory_space<vmem>> -> memref<1x8x50x128xf32, #tpu.memory_space<vmem>>
      %dma_start3A_838 = tpu.memref_squeeze %dma_start3A_837 : memref<1x8x50x128xf32, #tpu.memory_space<vmem>> -> memref<8x50x128xf32, #tpu.memory_space<vmem>>
      %dma_start3A_839 = arith.constant 0 : i32
      %dma_start3A_840 = arith.constant 0 : i32
      %dma_start3A_841 = tpu.memref_slice %arg4[%add3A_832, %dma_start3A_839, %dma_start3A_840] : memref<16384x50x128xf32, #tpu.memory_space<hbm>> -> memref<8x50x128xf32, #tpu.memory_space<hbm>>
      %dma_start3A_842 = arith.constant 0 : i32
      %dma_start3A_843 = arith.constant 0 : i32
      %dma_start3A_844 = tpu.memref_slice %arg4[%add3A_832, %dma_start3A_842, %dma_start3A_843] : memref<16384x50x128xf32, #tpu.memory_space<hbm>> -> memref<8x50x128xf32, #tpu.memory_space<hbm>>
      %dma_start3A_845 = arith.constant 0 : i32
      %dma_start3A_846 = arith.constant 0 : i32
      %dma_start3A_847 = arith.constant 0 : i32
      %dma_start3A_848 = tpu.memref_slice %arg6[%dma_start3A_833, %dma_start3A_845, %dma_start3A_846, %dma_start3A_847] : memref<2x8x50x128xf32, #tpu.memory_space<vmem>> -> memref<1x8x50x128xf32, #tpu.memory_space<vmem>>
      %dma_start3A_849 = tpu.memref_squeeze %dma_start3A_848 : memref<1x8x50x128xf32, #tpu.memory_space<vmem>> -> memref<8x50x128xf32, #tpu.memory_space<vmem>>
      tpu.enqueue_dma source(%dma_start3A_849 : memref<8x50x128xf32, #tpu.memory_space<vmem>>) target(%dma_start3A_844 : memref<8x50x128xf32, #tpu.memory_space<hbm>>) target_semaphore(%arg10 : memref<!tpu.dma_semaphore, #tpu.memory_space<semaphore_mem>>)
      %dma_wait3A_850 = arith.constant 0 : i32
      %dma_wait3A_851 = arith.constant 0 : i32
      %dma_wait3A_852 = arith.constant 0 : i32
      %dma_wait3A_853 = arith.constant 0 : i32
      %dma_wait3A_854 = tpu.memref_slice %arg6[%dma_wait3A_850, %dma_wait3A_851, %dma_wait3A_852, %dma_wait3A_853] : memref<2x8x50x128xf32, #tpu.memory_space<vmem>> -> memref<1x8x50x128xf32, #tpu.memory_space<vmem>>
      %dma_wait3A_855 = tpu.memref_squeeze %dma_wait3A_854 : memref<1x8x50x128xf32, #tpu.memory_space<vmem>> -> memref<8x50x128xf32, #tpu.memory_space<vmem>>
      %dma_wait3A_856 = arith.constant 0 : i32
      %dma_wait3A_857 = arith.constant 0 : i32
      %dma_wait3A_858 = tpu.memref_slice %arg4[%mul3A_2, %dma_wait3A_856, %dma_wait3A_857] : memref<16384x50x128xf32, #tpu.memory_space<hbm>> -> memref<8x50x128xf32, #tpu.memory_space<hbm>>
      %dma_wait3A_859 = arith.constant 0 : i32
      %dma_wait3A_860 = arith.constant 0 : i32
      %dma_wait3A_861 = tpu.memref_slice %arg4[%mul3A_2, %dma_wait3A_859, %dma_wait3A_860] : memref<16384x50x128xf32, #tpu.memory_space<hbm>> -> memref<8x50x128xf32, #tpu.memory_space<hbm>>
      %dma_wait3A_862 = arith.constant 0 : i32
      %dma_wait3A_863 = arith.constant 0 : i32
      %dma_wait3A_864 = arith.constant 0 : i32
      %dma_wait3A_865 = tpu.memref_slice %arg6[%dma_wait3A_850, %dma_wait3A_862, %dma_wait3A_863, %dma_wait3A_864] : memref<2x8x50x128xf32, #tpu.memory_space<vmem>> -> memref<1x8x50x128xf32, #tpu.memory_space<vmem>>
      %dma_wait3A_866 = tpu.memref_squeeze %dma_wait3A_865 : memref<1x8x50x128xf32, #tpu.memory_space<vmem>> -> memref<8x50x128xf32, #tpu.memory_space<vmem>>
      tpu.wait_dma2 semaphore(%arg9 : memref<!tpu.dma_semaphore, #tpu.memory_space<semaphore_mem>>) src(%dma_wait3A_866 : memref<8x50x128xf32, #tpu.memory_space<vmem>>) dst(%dma_wait3A_861 : memref<8x50x128xf32, #tpu.memory_space<hbm>>)
      %dma_wait3A_867 = arith.constant 0 : i32
      %dma_wait3A_868 = arith.constant 0 : i32
      %dma_wait3A_869 = arith.constant 0 : i32
      %dma_wait3A_870 = tpu.memref_slice %arg5[%dma_wait3A_867, %dma_wait3A_868, %dma_wait3A_869] : memref<2x8x50xi32, #tpu.memory_space<vmem>> -> memref<1x8x50xi32, #tpu.memory_space<vmem>>
      %dma_wait3A_871 = tpu.memref_squeeze %dma_wait3A_870 : memref<1x8x50xi32, #tpu.memory_space<vmem>> -> memref<8x50xi32, #tpu.memory_space<vmem>>
      %dma_wait3A_872 = arith.constant 0 : i32
      %dma_wait3A_873 = tpu.memref_slice %arg2[%mul3A_2, %dma_wait3A_872] : memref<16384x50xi32, #tpu.memory_space<hbm>> -> memref<8x50xi32, #tpu.memory_space<hbm>>
      %dma_wait3A_874 = arith.constant 0 : i32
      %dma_wait3A_875 = arith.constant 0 : i32
      %dma_wait3A_876 = tpu.memref_slice %arg5[%dma_wait3A_867, %dma_wait3A_874, %dma_wait3A_875] : memref<2x8x50xi32, #tpu.memory_space<vmem>> -> memref<1x8x50xi32, #tpu.memory_space<vmem>>
      %dma_wait3A_877 = tpu.memref_squeeze %dma_wait3A_876 : memref<1x8x50xi32, #tpu.memory_space<vmem>> -> memref<8x50xi32, #tpu.memory_space<vmem>>
      %dma_wait3A_878 = arith.constant 0 : i32
      %dma_wait3A_879 = tpu.memref_slice %arg2[%mul3A_2, %dma_wait3A_878] : memref<16384x50xi32, #tpu.memory_space<hbm>> -> memref<8x50xi32, #tpu.memory_space<hbm>>
      tpu.wait_dma2 semaphore(%arg11 : memref<!tpu.dma_semaphore, #tpu.memory_space<semaphore_mem>>) src(%dma_wait3A_879 : memref<8x50xi32, #tpu.memory_space<hbm>>) dst(%dma_wait3A_877 : memref<8x50xi32, #tpu.memory_space<vmem>>)
      %add3A_880 = arith.constant 1 : i32
      %add3A_881 = arith.addi %add3A_792, %add3A_880 : i32
      %dma_start3A_882 = arith.constant 0 : i32
      %dma_start3A_883 = arith.constant 0 : i32
      %dma_start3A_884 = arith.constant 0 : i32
      %dma_start3A_885 = arith.constant 0 : i32
      %dma_start3A_886 = arith.constant 0 : i32
      %dma_start3A_887 = arith.constant 0 : i32
      %dma_start3A_888 = tpu.memref_slice %arg6[%dma_start3A_884, %dma_start3A_885, %dma_start3A_886, %dma_start3A_887] : memref<2x8x50x128xf32, #tpu.memory_space<vmem>> -> memref<1x1x50x128xf32, #tpu.memory_space<vmem>>
      %dma_start3A_889 = tpu.memref_squeeze %dma_start3A_888 : memref<1x1x50x128xf32, #tpu.memory_space<vmem>> -> memref<50x128xf32, #tpu.memory_space<vmem>>
      %dma_start3A_890 = arith.constant 0 : i32
      %dma_start3A_891 = tpu.memref_slice %arg5[%dma_start3A_882, %dma_start3A_883, %dma_start3A_890] : memref<2x8x50xi32, #tpu.memory_space<vmem>> -> memref<1x1x50xi32, #tpu.memory_space<vmem>>
      %dma_start3A_892 = tpu.memref_squeeze %dma_start3A_891 : memref<1x1x50xi32, #tpu.memory_space<vmem>> -> memref<50xi32, #tpu.memory_space<vmem>>
      %dma_start3A_893 = arith.constant 0 : i32
      %dma_start3A_894 = arith.constant 0 : i32
      %dma_start3A_895 = tpu.memref_slice %arg3[%dma_start3A_893, %dma_start3A_894] : memref<100000x128xf32, #tpu.memory_space<hbm>> -> memref<100000x128xf32, #tpu.memory_space<hbm>>
      tpu.enqueue_indirect_dma source(%dma_start3A_895 : memref<100000x128xf32, #tpu.memory_space<hbm>>) target(%dma_start3A_889 : memref<50x128xf32, #tpu.memory_space<vmem>>) offsets(%dma_start3A_892 : memref<50xi32, #tpu.memory_space<vmem>>) semaphore(%arg7 : memref<!tpu.dma_semaphore, #tpu.memory_space<semaphore_mem>>)
      %dma_start3A_896 = arith.constant 0 : i32
      %dma_start3A_897 = arith.constant 1 : i32
      %dma_start3A_898 = arith.constant 0 : i32
      %dma_start3A_899 = arith.constant 1 : i32
      %dma_start3A_900 = arith.constant 0 : i32
      %dma_start3A_901 = arith.constant 0 : i32
      %dma_start3A_902 = tpu.memref_slice %arg6[%dma_start3A_898, %dma_start3A_899, %dma_start3A_900, %dma_start3A_901] : memref<2x8x50x128xf32, #tpu.memory_space<vmem>> -> memref<1x1x50x128xf32, #tpu.memory_space<vmem>>
      %dma_start3A_903 = tpu.memref_squeeze %dma_start3A_902 : memref<1x1x50x128xf32, #tpu.memory_space<vmem>> -> memref<50x128xf32, #tpu.memory_space<vmem>>
      %dma_start3A_904 = arith.constant 0 : i32
      %dma_start3A_905 = tpu.memref_slice %arg5[%dma_start3A_896, %dma_start3A_897, %dma_start3A_904] : memref<2x8x50xi32, #tpu.memory_space<vmem>> -> memref<1x1x50xi32, #tpu.memory_space<vmem>>
      %dma_start3A_906 = tpu.memref_squeeze %dma_start3A_905 : memref<1x1x50xi32, #tpu.memory_space<vmem>> -> memref<50xi32, #tpu.memory_space<vmem>>
      %dma_start3A_907 = arith.constant 0 : i32
      %dma_start3A_908 = arith.constant 0 : i32
      %dma_start3A_909 = tpu.memref_slice %arg3[%dma_start3A_907, %dma_start3A_908] : memref<100000x128xf32, #tpu.memory_space<hbm>> -> memref<100000x128xf32, #tpu.memory_space<hbm>>
      tpu.enqueue_indirect_dma source(%dma_start3A_909 : memref<100000x128xf32, #tpu.memory_space<hbm>>) target(%dma_start3A_903 : memref<50x128xf32, #tpu.memory_space<vmem>>) offsets(%dma_start3A_906 : memref<50xi32, #tpu.memory_space<vmem>>) semaphore(%arg7 : memref<!tpu.dma_semaphore, #tpu.memory_space<semaphore_mem>>)
      %dma_start3A_910 = arith.constant 0 : i32
      %dma_start3A_911 = arith.constant 2 : i32
      %dma_start3A_912 = arith.constant 0 : i32
      %dma_start3A_913 = arith.constant 2 : i32
      %dma_start3A_914 = arith.constant 0 : i32
      %dma_start3A_915 = arith.constant 0 : i32
      %dma_start3A_916 = tpu.memref_slice %arg6[%dma_start3A_912, %dma_start3A_913, %dma_start3A_914, %dma_start3A_915] : memref<2x8x50x128xf32, #tpu.memory_space<vmem>> -> memref<1x1x50x128xf32, #tpu.memory_space<vmem>>
      %dma_start3A_917 = tpu.memref_squeeze %dma_start3A_916 : memref<1x1x50x128xf32, #tpu.memory_space<vmem>> -> memref<50x128xf32, #tpu.memory_space<vmem>>
      %dma_start3A_918 = arith.constant 0 : i32
      %dma_start3A_919 = tpu.memref_slice %arg5[%dma_start3A_910, %dma_start3A_911, %dma_start3A_918] : memref<2x8x50xi32, #tpu.memory_space<vmem>> -> memref<1x1x50xi32, #tpu.memory_space<vmem>>
      %dma_start3A_920 = tpu.memref_squeeze %dma_start3A_919 : memref<1x1x50xi32, #tpu.memory_space<vmem>> -> memref<50xi32, #tpu.memory_space<vmem>>
      %dma_start3A_921 = arith.constant 0 : i32
      %dma_start3A_922 = arith.constant 0 : i32
      %dma_start3A_923 = tpu.memref_slice %arg3[%dma_start3A_921, %dma_start3A_922] : memref<100000x128xf32, #tpu.memory_space<hbm>> -> memref<100000x128xf32, #tpu.memory_space<hbm>>
      tpu.enqueue_indirect_dma source(%dma_start3A_923 : memref<100000x128xf32, #tpu.memory_space<hbm>>) target(%dma_start3A_917 : memref<50x128xf32, #tpu.memory_space<vmem>>) offsets(%dma_start3A_920 : memref<50xi32, #tpu.memory_space<vmem>>) semaphore(%arg7 : memref<!tpu.dma_semaphore, #tpu.memory_space<semaphore_mem>>)
      %dma_start3A_924 = arith.constant 0 : i32
      %dma_start3A_925 = arith.constant 3 : i32
      %dma_start3A_926 = arith.constant 0 : i32
      %dma_start3A_927 = arith.constant 3 : i32
      %dma_start3A_928 = arith.constant 0 : i32
      %dma_start3A_929 = arith.constant 0 : i32
      %dma_start3A_930 = tpu.memref_slice %arg6[%dma_start3A_926, %dma_start3A_927, %dma_start3A_928, %dma_start3A_929] : memref<2x8x50x128xf32, #tpu.memory_space<vmem>> -> memref<1x1x50x128xf32, #tpu.memory_space<vmem>>
      %dma_start3A_931 = tpu.memref_squeeze %dma_start3A_930 : memref<1x1x50x128xf32, #tpu.memory_space<vmem>> -> memref<50x128xf32, #tpu.memory_space<vmem>>
      %dma_start3A_932 = arith.constant 0 : i32
      %dma_start3A_933 = tpu.memref_slice %arg5[%dma_start3A_924, %dma_start3A_925, %dma_start3A_932] : memref<2x8x50xi32, #tpu.memory_space<vmem>> -> memref<1x1x50xi32, #tpu.memory_space<vmem>>
      %dma_start3A_934 = tpu.memref_squeeze %dma_start3A_933 : memref<1x1x50xi32, #tpu.memory_space<vmem>> -> memref<50xi32, #tpu.memory_space<vmem>>
      %dma_start3A_935 = arith.constant 0 : i32
      %dma_start3A_936 = arith.constant 0 : i32
      %dma_start3A_937 = tpu.memref_slice %arg3[%dma_start3A_935, %dma_start3A_936] : memref<100000x128xf32, #tpu.memory_space<hbm>> -> memref<100000x128xf32, #tpu.memory_space<hbm>>
      tpu.enqueue_indirect_dma source(%dma_start3A_937 : memref<100000x128xf32, #tpu.memory_space<hbm>>) target(%dma_start3A_931 : memref<50x128xf32, #tpu.memory_space<vmem>>) offsets(%dma_start3A_934 : memref<50xi32, #tpu.memory_space<vmem>>) semaphore(%arg7 : memref<!tpu.dma_semaphore, #tpu.memory_space<semaphore_mem>>)
      %dma_start3A_938 = arith.constant 0 : i32
      %dma_start3A_939 = arith.constant 4 : i32
      %dma_start3A_940 = arith.constant 0 : i32
      %dma_start3A_941 = arith.constant 4 : i32
      %dma_start3A_942 = arith.constant 0 : i32
      %dma_start3A_943 = arith.constant 0 : i32
      %dma_start3A_944 = tpu.memref_slice %arg6[%dma_start3A_940, %dma_start3A_941, %dma_start3A_942, %dma_start3A_943] : memref<2x8x50x128xf32, #tpu.memory_space<vmem>> -> memref<1x1x50x128xf32, #tpu.memory_space<vmem>>
      %dma_start3A_945 = tpu.memref_squeeze %dma_start3A_944 : memref<1x1x50x128xf32, #tpu.memory_space<vmem>> -> memref<50x128xf32, #tpu.memory_space<vmem>>
      %dma_start3A_946 = arith.constant 0 : i32
      %dma_start3A_947 = tpu.memref_slice %arg5[%dma_start3A_938, %dma_start3A_939, %dma_start3A_946] : memref<2x8x50xi32, #tpu.memory_space<vmem>> -> memref<1x1x50xi32, #tpu.memory_space<vmem>>
      %dma_start3A_948 = tpu.memref_squeeze %dma_start3A_947 : memref<1x1x50xi32, #tpu.memory_space<vmem>> -> memref<50xi32, #tpu.memory_space<vmem>>
      %dma_start3A_949 = arith.constant 0 : i32
      %dma_start3A_950 = arith.constant 0 : i32
      %dma_start3A_951 = tpu.memref_slice %arg3[%dma_start3A_949, %dma_start3A_950] : memref<100000x128xf32, #tpu.memory_space<hbm>> -> memref<100000x128xf32, #tpu.memory_space<hbm>>
      tpu.enqueue_indirect_dma source(%dma_start3A_951 : memref<100000x128xf32, #tpu.memory_space<hbm>>) target(%dma_start3A_945 : memref<50x128xf32, #tpu.memory_space<vmem>>) offsets(%dma_start3A_948 : memref<50xi32, #tpu.memory_space<vmem>>) semaphore(%arg7 : memref<!tpu.dma_semaphore, #tpu.memory_space<semaphore_mem>>)
      %dma_start3A_952 = arith.constant 0 : i32
      %dma_start3A_953 = arith.constant 5 : i32
      %dma_start3A_954 = arith.constant 0 : i32
      %dma_start3A_955 = arith.constant 5 : i32
      %dma_start3A_956 = arith.constant 0 : i32
      %dma_start3A_957 = arith.constant 0 : i32
      %dma_start3A_958 = tpu.memref_slice %arg6[%dma_start3A_954, %dma_start3A_955, %dma_start3A_956, %dma_start3A_957] : memref<2x8x50x128xf32, #tpu.memory_space<vmem>> -> memref<1x1x50x128xf32, #tpu.memory_space<vmem>>
      %dma_start3A_959 = tpu.memref_squeeze %dma_start3A_958 : memref<1x1x50x128xf32, #tpu.memory_space<vmem>> -> memref<50x128xf32, #tpu.memory_space<vmem>>
      %dma_start3A_960 = arith.constant 0 : i32
      %dma_start3A_961 = tpu.memref_slice %arg5[%dma_start3A_952, %dma_start3A_953, %dma_start3A_960] : memref<2x8x50xi32, #tpu.memory_space<vmem>> -> memref<1x1x50xi32, #tpu.memory_space<vmem>>
      %dma_start3A_962 = tpu.memref_squeeze %dma_start3A_961 : memref<1x1x50xi32, #tpu.memory_space<vmem>> -> memref<50xi32, #tpu.memory_space<vmem>>
      %dma_start3A_963 = arith.constant 0 : i32
      %dma_start3A_964 = arith.constant 0 : i32
      %dma_start3A_965 = tpu.memref_slice %arg3[%dma_start3A_963, %dma_start3A_964] : memref<100000x128xf32, #tpu.memory_space<hbm>> -> memref<100000x128xf32, #tpu.memory_space<hbm>>
      tpu.enqueue_indirect_dma source(%dma_start3A_965 : memref<100000x128xf32, #tpu.memory_space<hbm>>) target(%dma_start3A_959 : memref<50x128xf32, #tpu.memory_space<vmem>>) offsets(%dma_start3A_962 : memref<50xi32, #tpu.memory_space<vmem>>) semaphore(%arg7 : memref<!tpu.dma_semaphore, #tpu.memory_space<semaphore_mem>>)
      %dma_start3A_966 = arith.constant 0 : i32
      %dma_start3A_967 = arith.constant 6 : i32
      %dma_start3A_968 = arith.constant 0 : i32
      %dma_start3A_969 = arith.constant 6 : i32
      %dma_start3A_970 = arith.constant 0 : i32
      %dma_start3A_971 = arith.constant 0 : i32
      %dma_start3A_972 = tpu.memref_slice %arg6[%dma_start3A_968, %dma_start3A_969, %dma_start3A_970, %dma_start3A_971] : memref<2x8x50x128xf32, #tpu.memory_space<vmem>> -> memref<1x1x50x128xf32, #tpu.memory_space<vmem>>
      %dma_start3A_973 = tpu.memref_squeeze %dma_start3A_972 : memref<1x1x50x128xf32, #tpu.memory_space<vmem>> -> memref<50x128xf32, #tpu.memory_space<vmem>>
      %dma_start3A_974 = arith.constant 0 : i32
      %dma_start3A_975 = tpu.memref_slice %arg5[%dma_start3A_966, %dma_start3A_967, %dma_start3A_974] : memref<2x8x50xi32, #tpu.memory_space<vmem>> -> memref<1x1x50xi32, #tpu.memory_space<vmem>>
      %dma_start3A_976 = tpu.memref_squeeze %dma_start3A_975 : memref<1x1x50xi32, #tpu.memory_space<vmem>> -> memref<50xi32, #tpu.memory_space<vmem>>
      %dma_start3A_977 = arith.constant 0 : i32
      %dma_start3A_978 = arith.constant 0 : i32
      %dma_start3A_979 = tpu.memref_slice %arg3[%dma_start3A_977, %dma_start3A_978] : memref<100000x128xf32, #tpu.memory_space<hbm>> -> memref<100000x128xf32, #tpu.memory_space<hbm>>
      tpu.enqueue_indirect_dma source(%dma_start3A_979 : memref<100000x128xf32, #tpu.memory_space<hbm>>) target(%dma_start3A_973 : memref<50x128xf32, #tpu.memory_space<vmem>>) offsets(%dma_start3A_976 : memref<50xi32, #tpu.memory_space<vmem>>) semaphore(%arg7 : memref<!tpu.dma_semaphore, #tpu.memory_space<semaphore_mem>>)
      %dma_start3A_980 = arith.constant 0 : i32
      %dma_start3A_981 = arith.constant 7 : i32
      %dma_start3A_982 = arith.constant 0 : i32
      %dma_start3A_983 = arith.constant 7 : i32
      %dma_start3A_984 = arith.constant 0 : i32
      %dma_start3A_985 = arith.constant 0 : i32
      %dma_start3A_986 = tpu.memref_slice %arg6[%dma_start3A_982, %dma_start3A_983, %dma_start3A_984, %dma_start3A_985] : memref<2x8x50x128xf32, #tpu.memory_space<vmem>> -> memref<1x1x50x128xf32, #tpu.memory_space<vmem>>
      %dma_start3A_987 = tpu.memref_squeeze %dma_start3A_986 : memref<1x1x50x128xf32, #tpu.memory_space<vmem>> -> memref<50x128xf32, #tpu.memory_space<vmem>>
      %dma_start3A_988 = arith.constant 0 : i32
      %dma_start3A_989 = tpu.memref_slice %arg5[%dma_start3A_980, %dma_start3A_981, %dma_start3A_988] : memref<2x8x50xi32, #tpu.memory_space<vmem>> -> memref<1x1x50xi32, #tpu.memory_space<vmem>>
      %dma_start3A_990 = tpu.memref_squeeze %dma_start3A_989 : memref<1x1x50xi32, #tpu.memory_space<vmem>> -> memref<50xi32, #tpu.memory_space<vmem>>
      %dma_start3A_991 = arith.constant 0 : i32
      %dma_start3A_992 = arith.constant 0 : i32
      %dma_start3A_993 = tpu.memref_slice %arg3[%dma_start3A_991, %dma_start3A_992] : memref<100000x128xf32, #tpu.memory_space<hbm>> -> memref<100000x128xf32, #tpu.memory_space<hbm>>
      tpu.enqueue_indirect_dma source(%dma_start3A_993 : memref<100000x128xf32, #tpu.memory_space<hbm>>) target(%dma_start3A_987 : memref<50x128xf32, #tpu.memory_space<vmem>>) offsets(%dma_start3A_990 : memref<50xi32, #tpu.memory_space<vmem>>) semaphore(%arg7 : memref<!tpu.dma_semaphore, #tpu.memory_space<semaphore_mem>>)
      %mul3A_994 = arith.constant 2 : i32
      %mul3A_995 = arith.muli %mul3A_994, %scan3A_786 : i32
      %add3A_996 = arith.constant 1 : i32
      %add3A_997 = arith.addi %add3A_996, %mul3A_995 : i32
      %add3A_998 = arith.constant 1 : i32
      %add3A_999 = arith.addi %add3A_997, %add3A_998 : i32
      %dma_wait3A_1000 = arith.constant 0 : i32
      %dma_wait3A_1001 = arith.constant 0 : i32
      %dma_wait3A_1002 = arith.constant 0 : i32
      %dma_wait3A_1003 = arith.constant 0 : i32
      %dma_wait3A_1004 = tpu.memref_slice %arg6[%dma_wait3A_1000, %dma_wait3A_1001, %dma_wait3A_1002, %dma_wait3A_1003] : memref<2x8x50x128xf32, #tpu.memory_space<vmem>> -> memref<1x8x50x128xf32, #tpu.memory_space<vmem>>
      %dma_wait3A_1005 = tpu.memref_squeeze %dma_wait3A_1004 : memref<1x8x50x128xf32, #tpu.memory_space<vmem>> -> memref<8x50x128xf32, #tpu.memory_space<vmem>>
      %dma_wait3A_1006 = arith.constant 0 : i32
      %dma_wait3A_1007 = arith.constant 0 : i32
      %dma_wait3A_1008 = arith.constant 0 : i32
      %dma_wait3A_1009 = tpu.memref_slice %arg4[%dma_wait3A_1006, %dma_wait3A_1007, %dma_wait3A_1008] : memref<16384x50x128xf32, #tpu.memory_space<hbm>> -> memref<8x50x128xf32, #tpu.memory_space<hbm>>
      %dma_wait3A_1010 = arith.constant 0 : i32
      %dma_wait3A_1011 = arith.constant 0 : i32
      %dma_wait3A_1012 = arith.constant 0 : i32
      %dma_wait3A_1013 = tpu.memref_slice %arg6[%dma_wait3A_1000, %dma_wait3A_1010, %dma_wait3A_1011, %dma_wait3A_1012] : memref<2x8x50x128xf32, #tpu.memory_space<vmem>> -> memref<1x8x50x128xf32, #tpu.memory_space<vmem>>
      %dma_wait3A_1014 = tpu.memref_squeeze %dma_wait3A_1013 : memref<1x8x50x128xf32, #tpu.memory_space<vmem>> -> memref<8x50x128xf32, #tpu.memory_space<vmem>>
      %dma_wait3A_1015 = arith.constant 0 : i32
      %dma_wait3A_1016 = arith.constant 0 : i32
      %dma_wait3A_1017 = arith.constant 0 : i32
      %dma_wait3A_1018 = tpu.memref_slice %arg4[%dma_wait3A_1015, %dma_wait3A_1016, %dma_wait3A_1017] : memref<16384x50x128xf32, #tpu.memory_space<hbm>> -> memref<8x50x128xf32, #tpu.memory_space<hbm>>
      tpu.wait_dma2 semaphore(%arg7 : memref<!tpu.dma_semaphore, #tpu.memory_space<semaphore_mem>>) src(%dma_wait3A_1018 : memref<8x50x128xf32, #tpu.memory_space<hbm>>) dst(%dma_wait3A_1014 : memref<8x50x128xf32, #tpu.memory_space<vmem>>)
      %add3A_1019 = arith.constant 2 : i32
      %add3A_1020 = arith.addi %add3A_999, %add3A_1019 : i32
      %mul3A_1021 = arith.constant 8 : i32
      %mul3A_1022 = arith.muli %add3A_1020, %mul3A_1021 : i32
      %add3A_1023 = arith.addi %mul3A_2, %mul3A_1022 : i32
      %dma_start3A_1024 = arith.constant 0 : i32
      %dma_start3A_1025 = arith.constant 0 : i32
      %dma_start3A_1026 = arith.constant 0 : i32
      %dma_start3A_1027 = tpu.memref_slice %arg5[%dma_start3A_1024, %dma_start3A_1025, %dma_start3A_1026] : memref<2x8x50xi32, #tpu.memory_space<vmem>> -> memref<1x8x50xi32, #tpu.memory_space<vmem>>
      %dma_start3A_1028 = tpu.memref_squeeze %dma_start3A_1027 : memref<1x8x50xi32, #tpu.memory_space<vmem>> -> memref<8x50xi32, #tpu.memory_space<vmem>>
      %dma_start3A_1029 = arith.constant 0 : i32
      %dma_start3A_1030 = tpu.memref_slice %arg2[%add3A_1023, %dma_start3A_1029] : memref<16384x50xi32, #tpu.memory_space<hbm>> -> memref<8x50xi32, #tpu.memory_space<hbm>>
      %dma_start3A_1031 = arith.constant 0 : i32
      %dma_start3A_1032 = arith.constant 0 : i32
      %dma_start3A_1033 = tpu.memref_slice %arg5[%dma_start3A_1024, %dma_start3A_1031, %dma_start3A_1032] : memref<2x8x50xi32, #tpu.memory_space<vmem>> -> memref<1x8x50xi32, #tpu.memory_space<vmem>>
      %dma_start3A_1034 = tpu.memref_squeeze %dma_start3A_1033 : memref<1x8x50xi32, #tpu.memory_space<vmem>> -> memref<8x50xi32, #tpu.memory_space<vmem>>
      %dma_start3A_1035 = arith.constant 0 : i32
      %dma_start3A_1036 = tpu.memref_slice %arg2[%add3A_1023, %dma_start3A_1035] : memref<16384x50xi32, #tpu.memory_space<hbm>> -> memref<8x50xi32, #tpu.memory_space<hbm>>
      tpu.enqueue_dma source(%dma_start3A_1036 : memref<8x50xi32, #tpu.memory_space<hbm>>) target(%dma_start3A_1034 : memref<8x50xi32, #tpu.memory_space<vmem>>) target_semaphore(%arg11 : memref<!tpu.dma_semaphore, #tpu.memory_space<semaphore_mem>>)
      %mul3A_1037 = arith.constant 8 : i32
      %mul3A_1038 = arith.muli %add3A_999, %mul3A_1037 : i32
      %add3A_1039 = arith.addi %mul3A_2, %mul3A_1038 : i32
      %dma_start3A_1040 = arith.constant 0 : i32
      %dma_start3A_1041 = arith.constant 0 : i32
      %dma_start3A_1042 = arith.constant 0 : i32
      %dma_start3A_1043 = arith.constant 0 : i32
      %dma_start3A_1044 = tpu.memref_slice %arg6[%dma_start3A_1040, %dma_start3A_1041, %dma_start3A_1042, %dma_start3A_1043] : memref<2x8x50x128xf32, #tpu.memory_space<vmem>> -> memref<1x8x50x128xf32, #tpu.memory_space<vmem>>
      %dma_start3A_1045 = tpu.memref_squeeze %dma_start3A_1044 : memref<1x8x50x128xf32, #tpu.memory_space<vmem>> -> memref<8x50x128xf32, #tpu.memory_space<vmem>>
      %dma_start3A_1046 = arith.constant 0 : i32
      %dma_start3A_1047 = arith.constant 0 : i32
      %dma_start3A_1048 = tpu.memref_slice %arg4[%add3A_1039, %dma_start3A_1046, %dma_start3A_1047] : memref<16384x50x128xf32, #tpu.memory_space<hbm>> -> memref<8x50x128xf32, #tpu.memory_space<hbm>>
      %dma_start3A_1049 = arith.constant 0 : i32
      %dma_start3A_1050 = arith.constant 0 : i32
      %dma_start3A_1051 = tpu.memref_slice %arg4[%add3A_1039, %dma_start3A_1049, %dma_start3A_1050] : memref<16384x50x128xf32, #tpu.memory_space<hbm>> -> memref<8x50x128xf32, #tpu.memory_space<hbm>>
      %dma_start3A_1052 = arith.constant 0 : i32
      %dma_start3A_1053 = arith.constant 0 : i32
      %dma_start3A_1054 = arith.constant 0 : i32
      %dma_start3A_1055 = tpu.memref_slice %arg6[%dma_start3A_1040, %dma_start3A_1052, %dma_start3A_1053, %dma_start3A_1054] : memref<2x8x50x128xf32, #tpu.memory_space<vmem>> -> memref<1x8x50x128xf32, #tpu.memory_space<vmem>>
      %dma_start3A_1056 = tpu.memref_squeeze %dma_start3A_1055 : memref<1x8x50x128xf32, #tpu.memory_space<vmem>> -> memref<8x50x128xf32, #tpu.memory_space<vmem>>
      tpu.enqueue_dma source(%dma_start3A_1056 : memref<8x50x128xf32, #tpu.memory_space<vmem>>) target(%dma_start3A_1051 : memref<8x50x128xf32, #tpu.memory_space<hbm>>) target_semaphore(%arg9 : memref<!tpu.dma_semaphore, #tpu.memory_space<semaphore_mem>>)
      %dma_wait3A_1057 = arith.constant 1 : i32
      %dma_wait3A_1058 = arith.constant 0 : i32
      %dma_wait3A_1059 = arith.constant 0 : i32
      %dma_wait3A_1060 = arith.constant 0 : i32
      %dma_wait3A_1061 = tpu.memref_slice %arg6[%dma_wait3A_1057, %dma_wait3A_1058, %dma_wait3A_1059, %dma_wait3A_1060] : memref<2x8x50x128xf32, #tpu.memory_space<vmem>> -> memref<1x8x50x128xf32, #tpu.memory_space<vmem>>
      %dma_wait3A_1062 = tpu.memref_squeeze %dma_wait3A_1061 : memref<1x8x50x128xf32, #tpu.memory_space<vmem>> -> memref<8x50x128xf32, #tpu.memory_space<vmem>>
      %dma_wait3A_1063 = arith.constant 0 : i32
      %dma_wait3A_1064 = arith.constant 0 : i32
      %dma_wait3A_1065 = tpu.memref_slice %arg4[%mul3A_2, %dma_wait3A_1063, %dma_wait3A_1064] : memref<16384x50x128xf32, #tpu.memory_space<hbm>> -> memref<8x50x128xf32, #tpu.memory_space<hbm>>
      %dma_wait3A_1066 = arith.constant 0 : i32
      %dma_wait3A_1067 = arith.constant 0 : i32
      %dma_wait3A_1068 = tpu.memref_slice %arg4[%mul3A_2, %dma_wait3A_1066, %dma_wait3A_1067] : memref<16384x50x128xf32, #tpu.memory_space<hbm>> -> memref<8x50x128xf32, #tpu.memory_space<hbm>>
      %dma_wait3A_1069 = arith.constant 0 : i32
      %dma_wait3A_1070 = arith.constant 0 : i32
      %dma_wait3A_1071 = arith.constant 0 : i32
      %dma_wait3A_1072 = tpu.memref_slice %arg6[%dma_wait3A_1057, %dma_wait3A_1069, %dma_wait3A_1070, %dma_wait3A_1071] : memref<2x8x50x128xf32, #tpu.memory_space<vmem>> -> memref<1x8x50x128xf32, #tpu.memory_space<vmem>>
      %dma_wait3A_1073 = tpu.memref_squeeze %dma_wait3A_1072 : memref<1x8x50x128xf32, #tpu.memory_space<vmem>> -> memref<8x50x128xf32, #tpu.memory_space<vmem>>
      tpu.wait_dma2 semaphore(%arg10 : memref<!tpu.dma_semaphore, #tpu.memory_space<semaphore_mem>>) src(%dma_wait3A_1073 : memref<8x50x128xf32, #tpu.memory_space<vmem>>) dst(%dma_wait3A_1068 : memref<8x50x128xf32, #tpu.memory_space<hbm>>)
      %dma_wait3A_1074 = arith.constant 1 : i32
      %dma_wait3A_1075 = arith.constant 0 : i32
      %dma_wait3A_1076 = arith.constant 0 : i32
      %dma_wait3A_1077 = tpu.memref_slice %arg5[%dma_wait3A_1074, %dma_wait3A_1075, %dma_wait3A_1076] : memref<2x8x50xi32, #tpu.memory_space<vmem>> -> memref<1x8x50xi32, #tpu.memory_space<vmem>>
      %dma_wait3A_1078 = tpu.memref_squeeze %dma_wait3A_1077 : memref<1x8x50xi32, #tpu.memory_space<vmem>> -> memref<8x50xi32, #tpu.memory_space<vmem>>
      %dma_wait3A_1079 = arith.constant 0 : i32
      %dma_wait3A_1080 = tpu.memref_slice %arg2[%mul3A_2, %dma_wait3A_1079] : memref<16384x50xi32, #tpu.memory_space<hbm>> -> memref<8x50xi32, #tpu.memory_space<hbm>>
      %dma_wait3A_1081 = arith.constant 0 : i32
      %dma_wait3A_1082 = arith.constant 0 : i32
      %dma_wait3A_1083 = tpu.memref_slice %arg5[%dma_wait3A_1074, %dma_wait3A_1081, %dma_wait3A_1082] : memref<2x8x50xi32, #tpu.memory_space<vmem>> -> memref<1x8x50xi32, #tpu.memory_space<vmem>>
      %dma_wait3A_1084 = tpu.memref_squeeze %dma_wait3A_1083 : memref<1x8x50xi32, #tpu.memory_space<vmem>> -> memref<8x50xi32, #tpu.memory_space<vmem>>
      %dma_wait3A_1085 = arith.constant 0 : i32
      %dma_wait3A_1086 = tpu.memref_slice %arg2[%mul3A_2, %dma_wait3A_1085] : memref<16384x50xi32, #tpu.memory_space<hbm>> -> memref<8x50xi32, #tpu.memory_space<hbm>>
      tpu.wait_dma2 semaphore(%arg12 : memref<!tpu.dma_semaphore, #tpu.memory_space<semaphore_mem>>) src(%dma_wait3A_1086 : memref<8x50xi32, #tpu.memory_space<hbm>>) dst(%dma_wait3A_1084 : memref<8x50xi32, #tpu.memory_space<vmem>>)
      %add3A_1087 = arith.constant 1 : i32
      %add3A_1088 = arith.addi %add3A_999, %add3A_1087 : i32
      %dma_start3A_1089 = arith.constant 1 : i32
      %dma_start3A_1090 = arith.constant 0 : i32
      %dma_start3A_1091 = arith.constant 1 : i32
      %dma_start3A_1092 = arith.constant 0 : i32
      %dma_start3A_1093 = arith.constant 0 : i32
      %dma_start3A_1094 = arith.constant 0 : i32
      %dma_start3A_1095 = tpu.memref_slice %arg6[%dma_start3A_1091, %dma_start3A_1092, %dma_start3A_1093, %dma_start3A_1094] : memref<2x8x50x128xf32, #tpu.memory_space<vmem>> -> memref<1x1x50x128xf32, #tpu.memory_space<vmem>>
      %dma_start3A_1096 = tpu.memref_squeeze %dma_start3A_1095 : memref<1x1x50x128xf32, #tpu.memory_space<vmem>> -> memref<50x128xf32, #tpu.memory_space<vmem>>
      %dma_start3A_1097 = arith.constant 0 : i32
      %dma_start3A_1098 = tpu.memref_slice %arg5[%dma_start3A_1089, %dma_start3A_1090, %dma_start3A_1097] : memref<2x8x50xi32, #tpu.memory_space<vmem>> -> memref<1x1x50xi32, #tpu.memory_space<vmem>>
      %dma_start3A_1099 = tpu.memref_squeeze %dma_start3A_1098 : memref<1x1x50xi32, #tpu.memory_space<vmem>> -> memref<50xi32, #tpu.memory_space<vmem>>
      %dma_start3A_1100 = arith.constant 0 : i32
      %dma_start3A_1101 = arith.constant 0 : i32
      %dma_start3A_1102 = tpu.memref_slice %arg3[%dma_start3A_1100, %dma_start3A_1101] : memref<100000x128xf32, #tpu.memory_space<hbm>> -> memref<100000x128xf32, #tpu.memory_space<hbm>>
      tpu.enqueue_indirect_dma source(%dma_start3A_1102 : memref<100000x128xf32, #tpu.memory_space<hbm>>) target(%dma_start3A_1096 : memref<50x128xf32, #tpu.memory_space<vmem>>) offsets(%dma_start3A_1099 : memref<50xi32, #tpu.memory_space<vmem>>) semaphore(%arg8 : memref<!tpu.dma_semaphore, #tpu.memory_space<semaphore_mem>>)
      %dma_start3A_1103 = arith.constant 1 : i32
      %dma_start3A_1104 = arith.constant 1 : i32
      %dma_start3A_1105 = arith.constant 1 : i32
      %dma_start3A_1106 = arith.constant 1 : i32
      %dma_start3A_1107 = arith.constant 0 : i32
      %dma_start3A_1108 = arith.constant 0 : i32
      %dma_start3A_1109 = tpu.memref_slice %arg6[%dma_start3A_1105, %dma_start3A_1106, %dma_start3A_1107, %dma_start3A_1108] : memref<2x8x50x128xf32, #tpu.memory_space<vmem>> -> memref<1x1x50x128xf32, #tpu.memory_space<vmem>>
      %dma_start3A_1110 = tpu.memref_squeeze %dma_start3A_1109 : memref<1x1x50x128xf32, #tpu.memory_space<vmem>> -> memref<50x128xf32, #tpu.memory_space<vmem>>
      %dma_start3A_1111 = arith.constant 0 : i32
      %dma_start3A_1112 = tpu.memref_slice %arg5[%dma_start3A_1103, %dma_start3A_1104, %dma_start3A_1111] : memref<2x8x50xi32, #tpu.memory_space<vmem>> -> memref<1x1x50xi32, #tpu.memory_space<vmem>>
      %dma_start3A_1113 = tpu.memref_squeeze %dma_start3A_1112 : memref<1x1x50xi32, #tpu.memory_space<vmem>> -> memref<50xi32, #tpu.memory_space<vmem>>
      %dma_start3A_1114 = arith.constant 0 : i32
      %dma_start3A_1115 = arith.constant 0 : i32
      %dma_start3A_1116 = tpu.memref_slice %arg3[%dma_start3A_1114, %dma_start3A_1115] : memref<100000x128xf32, #tpu.memory_space<hbm>> -> memref<100000x128xf32, #tpu.memory_space<hbm>>
      tpu.enqueue_indirect_dma source(%dma_start3A_1116 : memref<100000x128xf32, #tpu.memory_space<hbm>>) target(%dma_start3A_1110 : memref<50x128xf32, #tpu.memory_space<vmem>>) offsets(%dma_start3A_1113 : memref<50xi32, #tpu.memory_space<vmem>>) semaphore(%arg8 : memref<!tpu.dma_semaphore, #tpu.memory_space<semaphore_mem>>)
      %dma_start3A_1117 = arith.constant 1 : i32
      %dma_start3A_1118 = arith.constant 2 : i32
      %dma_start3A_1119 = arith.constant 1 : i32
      %dma_start3A_1120 = arith.constant 2 : i32
      %dma_start3A_1121 = arith.constant 0 : i32
      %dma_start3A_1122 = arith.constant 0 : i32
      %dma_start3A_1123 = tpu.memref_slice %arg6[%dma_start3A_1119, %dma_start3A_1120, %dma_start3A_1121, %dma_start3A_1122] : memref<2x8x50x128xf32, #tpu.memory_space<vmem>> -> memref<1x1x50x128xf32, #tpu.memory_space<vmem>>
      %dma_start3A_1124 = tpu.memref_squeeze %dma_start3A_1123 : memref<1x1x50x128xf32, #tpu.memory_space<vmem>> -> memref<50x128xf32, #tpu.memory_space<vmem>>
      %dma_start3A_1125 = arith.constant 0 : i32
      %dma_start3A_1126 = tpu.memref_slice %arg5[%dma_start3A_1117, %dma_start3A_1118, %dma_start3A_1125] : memref<2x8x50xi32, #tpu.memory_space<vmem>> -> memref<1x1x50xi32, #tpu.memory_space<vmem>>
      %dma_start3A_1127 = tpu.memref_squeeze %dma_start3A_1126 : memref<1x1x50xi32, #tpu.memory_space<vmem>> -> memref<50xi32, #tpu.memory_space<vmem>>
      %dma_start3A_1128 = arith.constant 0 : i32
      %dma_start3A_1129 = arith.constant 0 : i32
      %dma_start3A_1130 = tpu.memref_slice %arg3[%dma_start3A_1128, %dma_start3A_1129] : memref<100000x128xf32, #tpu.memory_space<hbm>> -> memref<100000x128xf32, #tpu.memory_space<hbm>>
      tpu.enqueue_indirect_dma source(%dma_start3A_1130 : memref<100000x128xf32, #tpu.memory_space<hbm>>) target(%dma_start3A_1124 : memref<50x128xf32, #tpu.memory_space<vmem>>) offsets(%dma_start3A_1127 : memref<50xi32, #tpu.memory_space<vmem>>) semaphore(%arg8 : memref<!tpu.dma_semaphore, #tpu.memory_space<semaphore_mem>>)
      %dma_start3A_1131 = arith.constant 1 : i32
      %dma_start3A_1132 = arith.constant 3 : i32
      %dma_start3A_1133 = arith.constant 1 : i32
      %dma_start3A_1134 = arith.constant 3 : i32
      %dma_start3A_1135 = arith.constant 0 : i32
      %dma_start3A_1136 = arith.constant 0 : i32
      %dma_start3A_1137 = tpu.memref_slice %arg6[%dma_start3A_1133, %dma_start3A_1134, %dma_start3A_1135, %dma_start3A_1136] : memref<2x8x50x128xf32, #tpu.memory_space<vmem>> -> memref<1x1x50x128xf32, #tpu.memory_space<vmem>>
      %dma_start3A_1138 = tpu.memref_squeeze %dma_start3A_1137 : memref<1x1x50x128xf32, #tpu.memory_space<vmem>> -> memref<50x128xf32, #tpu.memory_space<vmem>>
      %dma_start3A_1139 = arith.constant 0 : i32
      %dma_start3A_1140 = tpu.memref_slice %arg5[%dma_start3A_1131, %dma_start3A_1132, %dma_start3A_1139] : memref<2x8x50xi32, #tpu.memory_space<vmem>> -> memref<1x1x50xi32, #tpu.memory_space<vmem>>
      %dma_start3A_1141 = tpu.memref_squeeze %dma_start3A_1140 : memref<1x1x50xi32, #tpu.memory_space<vmem>> -> memref<50xi32, #tpu.memory_space<vmem>>
      %dma_start3A_1142 = arith.constant 0 : i32
      %dma_start3A_1143 = arith.constant 0 : i32
      %dma_start3A_1144 = tpu.memref_slice %arg3[%dma_start3A_1142, %dma_start3A_1143] : memref<100000x128xf32, #tpu.memory_space<hbm>> -> memref<100000x128xf32, #tpu.memory_space<hbm>>
      tpu.enqueue_indirect_dma source(%dma_start3A_1144 : memref<100000x128xf32, #tpu.memory_space<hbm>>) target(%dma_start3A_1138 : memref<50x128xf32, #tpu.memory_space<vmem>>) offsets(%dma_start3A_1141 : memref<50xi32, #tpu.memory_space<vmem>>) semaphore(%arg8 : memref<!tpu.dma_semaphore, #tpu.memory_space<semaphore_mem>>)
      %dma_start3A_1145 = arith.constant 1 : i32
      %dma_start3A_1146 = arith.constant 4 : i32
      %dma_start3A_1147 = arith.constant 1 : i32
      %dma_start3A_1148 = arith.constant 4 : i32
      %dma_start3A_1149 = arith.constant 0 : i32
      %dma_start3A_1150 = arith.constant 0 : i32
      %dma_start3A_1151 = tpu.memref_slice %arg6[%dma_start3A_1147, %dma_start3A_1148, %dma_start3A_1149, %dma_start3A_1150] : memref<2x8x50x128xf32, #tpu.memory_space<vmem>> -> memref<1x1x50x128xf32, #tpu.memory_space<vmem>>
      %dma_start3A_1152 = tpu.memref_squeeze %dma_start3A_1151 : memref<1x1x50x128xf32, #tpu.memory_space<vmem>> -> memref<50x128xf32, #tpu.memory_space<vmem>>
      %dma_start3A_1153 = arith.constant 0 : i32
      %dma_start3A_1154 = tpu.memref_slice %arg5[%dma_start3A_1145, %dma_start3A_1146, %dma_start3A_1153] : memref<2x8x50xi32, #tpu.memory_space<vmem>> -> memref<1x1x50xi32, #tpu.memory_space<vmem>>
      %dma_start3A_1155 = tpu.memref_squeeze %dma_start3A_1154 : memref<1x1x50xi32, #tpu.memory_space<vmem>> -> memref<50xi32, #tpu.memory_space<vmem>>
      %dma_start3A_1156 = arith.constant 0 : i32
      %dma_start3A_1157 = arith.constant 0 : i32
      %dma_start3A_1158 = tpu.memref_slice %arg3[%dma_start3A_1156, %dma_start3A_1157] : memref<100000x128xf32, #tpu.memory_space<hbm>> -> memref<100000x128xf32, #tpu.memory_space<hbm>>
      tpu.enqueue_indirect_dma source(%dma_start3A_1158 : memref<100000x128xf32, #tpu.memory_space<hbm>>) target(%dma_start3A_1152 : memref<50x128xf32, #tpu.memory_space<vmem>>) offsets(%dma_start3A_1155 : memref<50xi32, #tpu.memory_space<vmem>>) semaphore(%arg8 : memref<!tpu.dma_semaphore, #tpu.memory_space<semaphore_mem>>)
      %dma_start3A_1159 = arith.constant 1 : i32
      %dma_start3A_1160 = arith.constant 5 : i32
      %dma_start3A_1161 = arith.constant 1 : i32
      %dma_start3A_1162 = arith.constant 5 : i32
      %dma_start3A_1163 = arith.constant 0 : i32
      %dma_start3A_1164 = arith.constant 0 : i32
      %dma_start3A_1165 = tpu.memref_slice %arg6[%dma_start3A_1161, %dma_start3A_1162, %dma_start3A_1163, %dma_start3A_1164] : memref<2x8x50x128xf32, #tpu.memory_space<vmem>> -> memref<1x1x50x128xf32, #tpu.memory_space<vmem>>
      %dma_start3A_1166 = tpu.memref_squeeze %dma_start3A_1165 : memref<1x1x50x128xf32, #tpu.memory_space<vmem>> -> memref<50x128xf32, #tpu.memory_space<vmem>>
      %dma_start3A_1167 = arith.constant 0 : i32
      %dma_start3A_1168 = tpu.memref_slice %arg5[%dma_start3A_1159, %dma_start3A_1160, %dma_start3A_1167] : memref<2x8x50xi32, #tpu.memory_space<vmem>> -> memref<1x1x50xi32, #tpu.memory_space<vmem>>
      %dma_start3A_1169 = tpu.memref_squeeze %dma_start3A_1168 : memref<1x1x50xi32, #tpu.memory_space<vmem>> -> memref<50xi32, #tpu.memory_space<vmem>>
      %dma_start3A_1170 = arith.constant 0 : i32
      %dma_start3A_1171 = arith.constant 0 : i32
      %dma_start3A_1172 = tpu.memref_slice %arg3[%dma_start3A_1170, %dma_start3A_1171] : memref<100000x128xf32, #tpu.memory_space<hbm>> -> memref<100000x128xf32, #tpu.memory_space<hbm>>
      tpu.enqueue_indirect_dma source(%dma_start3A_1172 : memref<100000x128xf32, #tpu.memory_space<hbm>>) target(%dma_start3A_1166 : memref<50x128xf32, #tpu.memory_space<vmem>>) offsets(%dma_start3A_1169 : memref<50xi32, #tpu.memory_space<vmem>>) semaphore(%arg8 : memref<!tpu.dma_semaphore, #tpu.memory_space<semaphore_mem>>)
      %dma_start3A_1173 = arith.constant 1 : i32
      %dma_start3A_1174 = arith.constant 6 : i32
      %dma_start3A_1175 = arith.constant 1 : i32
      %dma_start3A_1176 = arith.constant 6 : i32
      %dma_start3A_1177 = arith.constant 0 : i32
      %dma_start3A_1178 = arith.constant 0 : i32
      %dma_start3A_1179 = tpu.memref_slice %arg6[%dma_start3A_1175, %dma_start3A_1176, %dma_start3A_1177, %dma_start3A_1178] : memref<2x8x50x128xf32, #tpu.memory_space<vmem>> -> memref<1x1x50x128xf32, #tpu.memory_space<vmem>>
      %dma_start3A_1180 = tpu.memref_squeeze %dma_start3A_1179 : memref<1x1x50x128xf32, #tpu.memory_space<vmem>> -> memref<50x128xf32, #tpu.memory_space<vmem>>
      %dma_start3A_1181 = arith.constant 0 : i32
      %dma_start3A_1182 = tpu.memref_slice %arg5[%dma_start3A_1173, %dma_start3A_1174, %dma_start3A_1181] : memref<2x8x50xi32, #tpu.memory_space<vmem>> -> memref<1x1x50xi32, #tpu.memory_space<vmem>>
      %dma_start3A_1183 = tpu.memref_squeeze %dma_start3A_1182 : memref<1x1x50xi32, #tpu.memory_space<vmem>> -> memref<50xi32, #tpu.memory_space<vmem>>
      %dma_start3A_1184 = arith.constant 0 : i32
      %dma_start3A_1185 = arith.constant 0 : i32
      %dma_start3A_1186 = tpu.memref_slice %arg3[%dma_start3A_1184, %dma_start3A_1185] : memref<100000x128xf32, #tpu.memory_space<hbm>> -> memref<100000x128xf32, #tpu.memory_space<hbm>>
      tpu.enqueue_indirect_dma source(%dma_start3A_1186 : memref<100000x128xf32, #tpu.memory_space<hbm>>) target(%dma_start3A_1180 : memref<50x128xf32, #tpu.memory_space<vmem>>) offsets(%dma_start3A_1183 : memref<50xi32, #tpu.memory_space<vmem>>) semaphore(%arg8 : memref<!tpu.dma_semaphore, #tpu.memory_space<semaphore_mem>>)
      %dma_start3A_1187 = arith.constant 1 : i32
      %dma_start3A_1188 = arith.constant 7 : i32
      %dma_start3A_1189 = arith.constant 1 : i32
      %dma_start3A_1190 = arith.constant 7 : i32
      %dma_start3A_1191 = arith.constant 0 : i32
      %dma_start3A_1192 = arith.constant 0 : i32
      %dma_start3A_1193 = tpu.memref_slice %arg6[%dma_start3A_1189, %dma_start3A_1190, %dma_start3A_1191, %dma_start3A_1192] : memref<2x8x50x128xf32, #tpu.memory_space<vmem>> -> memref<1x1x50x128xf32, #tpu.memory_space<vmem>>
      %dma_start3A_1194 = tpu.memref_squeeze %dma_start3A_1193 : memref<1x1x50x128xf32, #tpu.memory_space<vmem>> -> memref<50x128xf32, #tpu.memory_space<vmem>>
      %dma_start3A_1195 = arith.constant 0 : i32
      %dma_start3A_1196 = tpu.memref_slice %arg5[%dma_start3A_1187, %dma_start3A_1188, %dma_start3A_1195] : memref<2x8x50xi32, #tpu.memory_space<vmem>> -> memref<1x1x50xi32, #tpu.memory_space<vmem>>
      %dma_start3A_1197 = tpu.memref_squeeze %dma_start3A_1196 : memref<1x1x50xi32, #tpu.memory_space<vmem>> -> memref<50xi32, #tpu.memory_space<vmem>>
      %dma_start3A_1198 = arith.constant 0 : i32
      %dma_start3A_1199 = arith.constant 0 : i32
      %dma_start3A_1200 = tpu.memref_slice %arg3[%dma_start3A_1198, %dma_start3A_1199] : memref<100000x128xf32, #tpu.memory_space<hbm>> -> memref<100000x128xf32, #tpu.memory_space<hbm>>
      tpu.enqueue_indirect_dma source(%dma_start3A_1200 : memref<100000x128xf32, #tpu.memory_space<hbm>>) target(%dma_start3A_1194 : memref<50x128xf32, #tpu.memory_space<vmem>>) offsets(%dma_start3A_1197 : memref<50xi32, #tpu.memory_space<vmem>>) semaphore(%arg8 : memref<!tpu.dma_semaphore, #tpu.memory_space<semaphore_mem>>)
    }
    %scan3A_338 = arith.constant 30 : i32
    %dma_wait3A_339 = arith.constant 1 : i32
    %dma_wait3A_340 = arith.constant 0 : i32
    %dma_wait3A_341 = arith.constant 0 : i32
    %dma_wait3A_342 = arith.constant 0 : i32
    %dma_wait3A_343 = tpu.memref_slice %arg6[%dma_wait3A_339, %dma_wait3A_340, %dma_wait3A_341, %dma_wait3A_342] : memref<2x8x50x128xf32, #tpu.memory_space<vmem>> -> memref<1x8x50x128xf32, #tpu.memory_space<vmem>>
    %dma_wait3A_344 = tpu.memref_squeeze %dma_wait3A_343 : memref<1x8x50x128xf32, #tpu.memory_space<vmem>> -> memref<8x50x128xf32, #tpu.memory_space<vmem>>
    %dma_wait3A_345 = arith.constant 0 : i32
    %dma_wait3A_346 = arith.constant 0 : i32
    %dma_wait3A_347 = arith.constant 0 : i32
    %dma_wait3A_348 = tpu.memref_slice %arg4[%dma_wait3A_345, %dma_wait3A_346, %dma_wait3A_347] : memref<16384x50x128xf32, #tpu.memory_space<hbm>> -> memref<8x50x128xf32, #tpu.memory_space<hbm>>
    %dma_wait3A_349 = arith.constant 0 : i32
    %dma_wait3A_350 = arith.constant 0 : i32
    %dma_wait3A_351 = arith.constant 0 : i32
    %dma_wait3A_352 = tpu.memref_slice %arg6[%dma_wait3A_339, %dma_wait3A_349, %dma_wait3A_350, %dma_wait3A_351] : memref<2x8x50x128xf32, #tpu.memory_space<vmem>> -> memref<1x8x50x128xf32, #tpu.memory_space<vmem>>
    %dma_wait3A_353 = tpu.memref_squeeze %dma_wait3A_352 : memref<1x8x50x128xf32, #tpu.memory_space<vmem>> -> memref<8x50x128xf32, #tpu.memory_space<vmem>>
    %dma_wait3A_354 = arith.constant 0 : i32
    %dma_wait3A_355 = arith.constant 0 : i32
    %dma_wait3A_356 = arith.constant 0 : i32
    %dma_wait3A_357 = tpu.memref_slice %arg4[%dma_wait3A_354, %dma_wait3A_355, %dma_wait3A_356] : memref<16384x50x128xf32, #tpu.memory_space<hbm>> -> memref<8x50x128xf32, #tpu.memory_space<hbm>>
    tpu.wait_dma2 semaphore(%arg8 : memref<!tpu.dma_semaphore, #tpu.memory_space<semaphore_mem>>) src(%dma_wait3A_357 : memref<8x50x128xf32, #tpu.memory_space<hbm>>) dst(%dma_wait3A_353 : memref<8x50x128xf32, #tpu.memory_space<vmem>>)
    %add3A_358 = arith.constant 504 : i32
    %add3A_359 = arith.addi %mul3A_2, %add3A_358 : i32
    %dma_start3A_360 = arith.constant 1 : i32
    %dma_start3A_361 = arith.constant 0 : i32
    %dma_start3A_362 = arith.constant 0 : i32
    %dma_start3A_363 = tpu.memref_slice %arg5[%dma_start3A_360, %dma_start3A_361, %dma_start3A_362] : memref<2x8x50xi32, #tpu.memory_space<vmem>> -> memref<1x8x50xi32, #tpu.memory_space<vmem>>
    %dma_start3A_364 = tpu.memref_squeeze %dma_start3A_363 : memref<1x8x50xi32, #tpu.memory_space<vmem>> -> memref<8x50xi32, #tpu.memory_space<vmem>>
    %dma_start3A_365 = arith.constant 0 : i32
    %dma_start3A_366 = tpu.memref_slice %arg2[%add3A_359, %dma_start3A_365] : memref<16384x50xi32, #tpu.memory_space<hbm>> -> memref<8x50xi32, #tpu.memory_space<hbm>>
    %dma_start3A_367 = arith.constant 0 : i32
    %dma_start3A_368 = arith.constant 0 : i32
    %dma_start3A_369 = tpu.memref_slice %arg5[%dma_start3A_360, %dma_start3A_367, %dma_start3A_368] : memref<2x8x50xi32, #tpu.memory_space<vmem>> -> memref<1x8x50xi32, #tpu.memory_space<vmem>>
    %dma_start3A_370 = tpu.memref_squeeze %dma_start3A_369 : memref<1x8x50xi32, #tpu.memory_space<vmem>> -> memref<8x50xi32, #tpu.memory_space<vmem>>
    %dma_start3A_371 = arith.constant 0 : i32
    %dma_start3A_372 = tpu.memref_slice %arg2[%add3A_359, %dma_start3A_371] : memref<16384x50xi32, #tpu.memory_space<hbm>> -> memref<8x50xi32, #tpu.memory_space<hbm>>
    tpu.enqueue_dma source(%dma_start3A_372 : memref<8x50xi32, #tpu.memory_space<hbm>>) target(%dma_start3A_370 : memref<8x50xi32, #tpu.memory_space<vmem>>) target_semaphore(%arg12 : memref<!tpu.dma_semaphore, #tpu.memory_space<semaphore_mem>>)
    %add3A_373 = arith.constant 488 : i32
    %add3A_374 = arith.addi %mul3A_2, %add3A_373 : i32
    %dma_start3A_375 = arith.constant 1 : i32
    %dma_start3A_376 = arith.constant 0 : i32
    %dma_start3A_377 = arith.constant 0 : i32
    %dma_start3A_378 = arith.constant 0 : i32
    %dma_start3A_379 = tpu.memref_slice %arg6[%dma_start3A_375, %dma_start3A_376, %dma_start3A_377, %dma_start3A_378] : memref<2x8x50x128xf32, #tpu.memory_space<vmem>> -> memref<1x8x50x128xf32, #tpu.memory_space<vmem>>
    %dma_start3A_380 = tpu.memref_squeeze %dma_start3A_379 : memref<1x8x50x128xf32, #tpu.memory_space<vmem>> -> memref<8x50x128xf32, #tpu.memory_space<vmem>>
    %dma_start3A_381 = arith.constant 0 : i32
    %dma_start3A_382 = arith.constant 0 : i32
    %dma_start3A_383 = tpu.memref_slice %arg4[%add3A_374, %dma_start3A_381, %dma_start3A_382] : memref<16384x50x128xf32, #tpu.memory_space<hbm>> -> memref<8x50x128xf32, #tpu.memory_space<hbm>>
    %dma_start3A_384 = arith.constant 0 : i32
    %dma_start3A_385 = arith.constant 0 : i32
    %dma_start3A_386 = tpu.memref_slice %arg4[%add3A_374, %dma_start3A_384, %dma_start3A_385] : memref<16384x50x128xf32, #tpu.memory_space<hbm>> -> memref<8x50x128xf32, #tpu.memory_space<hbm>>
    %dma_start3A_387 = arith.constant 0 : i32
    %dma_start3A_388 = arith.constant 0 : i32
    %dma_start3A_389 = arith.constant 0 : i32
    %dma_start3A_390 = tpu.memref_slice %arg6[%dma_start3A_375, %dma_start3A_387, %dma_start3A_388, %dma_start3A_389] : memref<2x8x50x128xf32, #tpu.memory_space<vmem>> -> memref<1x8x50x128xf32, #tpu.memory_space<vmem>>
    %dma_start3A_391 = tpu.memref_squeeze %dma_start3A_390 : memref<1x8x50x128xf32, #tpu.memory_space<vmem>> -> memref<8x50x128xf32, #tpu.memory_space<vmem>>
    tpu.enqueue_dma source(%dma_start3A_391 : memref<8x50x128xf32, #tpu.memory_space<vmem>>) target(%dma_start3A_386 : memref<8x50x128xf32, #tpu.memory_space<hbm>>) target_semaphore(%arg10 : memref<!tpu.dma_semaphore, #tpu.memory_space<semaphore_mem>>)
    %dma_wait3A_392 = arith.constant 0 : i32
    %dma_wait3A_393 = arith.constant 0 : i32
    %dma_wait3A_394 = arith.constant 0 : i32
    %dma_wait3A_395 = arith.constant 0 : i32
    %dma_wait3A_396 = tpu.memref_slice %arg6[%dma_wait3A_392, %dma_wait3A_393, %dma_wait3A_394, %dma_wait3A_395] : memref<2x8x50x128xf32, #tpu.memory_space<vmem>> -> memref<1x8x50x128xf32, #tpu.memory_space<vmem>>
    %dma_wait3A_397 = tpu.memref_squeeze %dma_wait3A_396 : memref<1x8x50x128xf32, #tpu.memory_space<vmem>> -> memref<8x50x128xf32, #tpu.memory_space<vmem>>
    %dma_wait3A_398 = arith.constant 0 : i32
    %dma_wait3A_399 = arith.constant 0 : i32
    %dma_wait3A_400 = tpu.memref_slice %arg4[%mul3A_2, %dma_wait3A_398, %dma_wait3A_399] : memref<16384x50x128xf32, #tpu.memory_space<hbm>> -> memref<8x50x128xf32, #tpu.memory_space<hbm>>
    %dma_wait3A_401 = arith.constant 0 : i32
    %dma_wait3A_402 = arith.constant 0 : i32
    %dma_wait3A_403 = tpu.memref_slice %arg4[%mul3A_2, %dma_wait3A_401, %dma_wait3A_402] : memref<16384x50x128xf32, #tpu.memory_space<hbm>> -> memref<8x50x128xf32, #tpu.memory_space<hbm>>
    %dma_wait3A_404 = arith.constant 0 : i32
    %dma_wait3A_405 = arith.constant 0 : i32
    %dma_wait3A_406 = arith.constant 0 : i32
    %dma_wait3A_407 = tpu.memref_slice %arg6[%dma_wait3A_392, %dma_wait3A_404, %dma_wait3A_405, %dma_wait3A_406] : memref<2x8x50x128xf32, #tpu.memory_space<vmem>> -> memref<1x8x50x128xf32, #tpu.memory_space<vmem>>
    %dma_wait3A_408 = tpu.memref_squeeze %dma_wait3A_407 : memref<1x8x50x128xf32, #tpu.memory_space<vmem>> -> memref<8x50x128xf32, #tpu.memory_space<vmem>>
    tpu.wait_dma2 semaphore(%arg9 : memref<!tpu.dma_semaphore, #tpu.memory_space<semaphore_mem>>) src(%dma_wait3A_408 : memref<8x50x128xf32, #tpu.memory_space<vmem>>) dst(%dma_wait3A_403 : memref<8x50x128xf32, #tpu.memory_space<hbm>>)
    %dma_wait3A_409 = arith.constant 0 : i32
    %dma_wait3A_410 = arith.constant 0 : i32
    %dma_wait3A_411 = arith.constant 0 : i32
    %dma_wait3A_412 = tpu.memref_slice %arg5[%dma_wait3A_409, %dma_wait3A_410, %dma_wait3A_411] : memref<2x8x50xi32, #tpu.memory_space<vmem>> -> memref<1x8x50xi32, #tpu.memory_space<vmem>>
    %dma_wait3A_413 = tpu.memref_squeeze %dma_wait3A_412 : memref<1x8x50xi32, #tpu.memory_space<vmem>> -> memref<8x50xi32, #tpu.memory_space<vmem>>
    %dma_wait3A_414 = arith.constant 0 : i32
    %dma_wait3A_415 = tpu.memref_slice %arg2[%mul3A_2, %dma_wait3A_414] : memref<16384x50xi32, #tpu.memory_space<hbm>> -> memref<8x50xi32, #tpu.memory_space<hbm>>
    %dma_wait3A_416 = arith.constant 0 : i32
    %dma_wait3A_417 = arith.constant 0 : i32
    %dma_wait3A_418 = tpu.memref_slice %arg5[%dma_wait3A_409, %dma_wait3A_416, %dma_wait3A_417] : memref<2x8x50xi32, #tpu.memory_space<vmem>> -> memref<1x8x50xi32, #tpu.memory_space<vmem>>
    %dma_wait3A_419 = tpu.memref_squeeze %dma_wait3A_418 : memref<1x8x50xi32, #tpu.memory_space<vmem>> -> memref<8x50xi32, #tpu.memory_space<vmem>>
    %dma_wait3A_420 = arith.constant 0 : i32
    %dma_wait3A_421 = tpu.memref_slice %arg2[%mul3A_2, %dma_wait3A_420] : memref<16384x50xi32, #tpu.memory_space<hbm>> -> memref<8x50xi32, #tpu.memory_space<hbm>>
    tpu.wait_dma2 semaphore(%arg11 : memref<!tpu.dma_semaphore, #tpu.memory_space<semaphore_mem>>) src(%dma_wait3A_421 : memref<8x50xi32, #tpu.memory_space<hbm>>) dst(%dma_wait3A_419 : memref<8x50xi32, #tpu.memory_space<vmem>>)
    %dma_start3A_422 = arith.constant 0 : i32
    %dma_start3A_423 = arith.constant 0 : i32
    %dma_start3A_424 = arith.constant 0 : i32
    %dma_start3A_425 = arith.constant 0 : i32
    %dma_start3A_426 = arith.constant 0 : i32
    %dma_start3A_427 = arith.constant 0 : i32
    %dma_start3A_428 = tpu.memref_slice %arg6[%dma_start3A_424, %dma_start3A_425, %dma_start3A_426, %dma_start3A_427] : memref<2x8x50x128xf32, #tpu.memory_space<vmem>> -> memref<1x1x50x128xf32, #tpu.memory_space<vmem>>
    %dma_start3A_429 = tpu.memref_squeeze %dma_start3A_428 : memref<1x1x50x128xf32, #tpu.memory_space<vmem>> -> memref<50x128xf32, #tpu.memory_space<vmem>>
    %dma_start3A_430 = arith.constant 0 : i32
    %dma_start3A_431 = tpu.memref_slice %arg5[%dma_start3A_422, %dma_start3A_423, %dma_start3A_430] : memref<2x8x50xi32, #tpu.memory_space<vmem>> -> memref<1x1x50xi32, #tpu.memory_space<vmem>>
    %dma_start3A_432 = tpu.memref_squeeze %dma_start3A_431 : memref<1x1x50xi32, #tpu.memory_space<vmem>> -> memref<50xi32, #tpu.memory_space<vmem>>
    %dma_start3A_433 = arith.constant 0 : i32
    %dma_start3A_434 = arith.constant 0 : i32
    %dma_start3A_435 = tpu.memref_slice %arg3[%dma_start3A_433, %dma_start3A_434] : memref<100000x128xf32, #tpu.memory_space<hbm>> -> memref<100000x128xf32, #tpu.memory_space<hbm>>
    tpu.enqueue_indirect_dma source(%dma_start3A_435 : memref<100000x128xf32, #tpu.memory_space<hbm>>) target(%dma_start3A_429 : memref<50x128xf32, #tpu.memory_space<vmem>>) offsets(%dma_start3A_432 : memref<50xi32, #tpu.memory_space<vmem>>) semaphore(%arg7 : memref<!tpu.dma_semaphore, #tpu.memory_space<semaphore_mem>>)
    %dma_start3A_436 = arith.constant 0 : i32
    %dma_start3A_437 = arith.constant 1 : i32
    %dma_start3A_438 = arith.constant 0 : i32
    %dma_start3A_439 = arith.constant 1 : i32
    %dma_start3A_440 = arith.constant 0 : i32
    %dma_start3A_441 = arith.constant 0 : i32
    %dma_start3A_442 = tpu.memref_slice %arg6[%dma_start3A_438, %dma_start3A_439, %dma_start3A_440, %dma_start3A_441] : memref<2x8x50x128xf32, #tpu.memory_space<vmem>> -> memref<1x1x50x128xf32, #tpu.memory_space<vmem>>
    %dma_start3A_443 = tpu.memref_squeeze %dma_start3A_442 : memref<1x1x50x128xf32, #tpu.memory_space<vmem>> -> memref<50x128xf32, #tpu.memory_space<vmem>>
    %dma_start3A_444 = arith.constant 0 : i32
    %dma_start3A_445 = tpu.memref_slice %arg5[%dma_start3A_436, %dma_start3A_437, %dma_start3A_444] : memref<2x8x50xi32, #tpu.memory_space<vmem>> -> memref<1x1x50xi32, #tpu.memory_space<vmem>>
    %dma_start3A_446 = tpu.memref_squeeze %dma_start3A_445 : memref<1x1x50xi32, #tpu.memory_space<vmem>> -> memref<50xi32, #tpu.memory_space<vmem>>
    %dma_start3A_447 = arith.constant 0 : i32
    %dma_start3A_448 = arith.constant 0 : i32
    %dma_start3A_449 = tpu.memref_slice %arg3[%dma_start3A_447, %dma_start3A_448] : memref<100000x128xf32, #tpu.memory_space<hbm>> -> memref<100000x128xf32, #tpu.memory_space<hbm>>
    tpu.enqueue_indirect_dma source(%dma_start3A_449 : memref<100000x128xf32, #tpu.memory_space<hbm>>) target(%dma_start3A_443 : memref<50x128xf32, #tpu.memory_space<vmem>>) offsets(%dma_start3A_446 : memref<50xi32, #tpu.memory_space<vmem>>) semaphore(%arg7 : memref<!tpu.dma_semaphore, #tpu.memory_space<semaphore_mem>>)
    %dma_start3A_450 = arith.constant 0 : i32
    %dma_start3A_451 = arith.constant 2 : i32
    %dma_start3A_452 = arith.constant 0 : i32
    %dma_start3A_453 = arith.constant 2 : i32
    %dma_start3A_454 = arith.constant 0 : i32
    %dma_start3A_455 = arith.constant 0 : i32
    %dma_start3A_456 = tpu.memref_slice %arg6[%dma_start3A_452, %dma_start3A_453, %dma_start3A_454, %dma_start3A_455] : memref<2x8x50x128xf32, #tpu.memory_space<vmem>> -> memref<1x1x50x128xf32, #tpu.memory_space<vmem>>
    %dma_start3A_457 = tpu.memref_squeeze %dma_start3A_456 : memref<1x1x50x128xf32, #tpu.memory_space<vmem>> -> memref<50x128xf32, #tpu.memory_space<vmem>>
    %dma_start3A_458 = arith.constant 0 : i32
    %dma_start3A_459 = tpu.memref_slice %arg5[%dma_start3A_450, %dma_start3A_451, %dma_start3A_458] : memref<2x8x50xi32, #tpu.memory_space<vmem>> -> memref<1x1x50xi32, #tpu.memory_space<vmem>>
    %dma_start3A_460 = tpu.memref_squeeze %dma_start3A_459 : memref<1x1x50xi32, #tpu.memory_space<vmem>> -> memref<50xi32, #tpu.memory_space<vmem>>
    %dma_start3A_461 = arith.constant 0 : i32
    %dma_start3A_462 = arith.constant 0 : i32
    %dma_start3A_463 = tpu.memref_slice %arg3[%dma_start3A_461, %dma_start3A_462] : memref<100000x128xf32, #tpu.memory_space<hbm>> -> memref<100000x128xf32, #tpu.memory_space<hbm>>
    tpu.enqueue_indirect_dma source(%dma_start3A_463 : memref<100000x128xf32, #tpu.memory_space<hbm>>) target(%dma_start3A_457 : memref<50x128xf32, #tpu.memory_space<vmem>>) offsets(%dma_start3A_460 : memref<50xi32, #tpu.memory_space<vmem>>) semaphore(%arg7 : memref<!tpu.dma_semaphore, #tpu.memory_space<semaphore_mem>>)
    %dma_start3A_464 = arith.constant 0 : i32
    %dma_start3A_465 = arith.constant 3 : i32
    %dma_start3A_466 = arith.constant 0 : i32
    %dma_start3A_467 = arith.constant 3 : i32
    %dma_start3A_468 = arith.constant 0 : i32
    %dma_start3A_469 = arith.constant 0 : i32
    %dma_start3A_470 = tpu.memref_slice %arg6[%dma_start3A_466, %dma_start3A_467, %dma_start3A_468, %dma_start3A_469] : memref<2x8x50x128xf32, #tpu.memory_space<vmem>> -> memref<1x1x50x128xf32, #tpu.memory_space<vmem>>
    %dma_start3A_471 = tpu.memref_squeeze %dma_start3A_470 : memref<1x1x50x128xf32, #tpu.memory_space<vmem>> -> memref<50x128xf32, #tpu.memory_space<vmem>>
    %dma_start3A_472 = arith.constant 0 : i32
    %dma_start3A_473 = tpu.memref_slice %arg5[%dma_start3A_464, %dma_start3A_465, %dma_start3A_472] : memref<2x8x50xi32, #tpu.memory_space<vmem>> -> memref<1x1x50xi32, #tpu.memory_space<vmem>>
    %dma_start3A_474 = tpu.memref_squeeze %dma_start3A_473 : memref<1x1x50xi32, #tpu.memory_space<vmem>> -> memref<50xi32, #tpu.memory_space<vmem>>
    %dma_start3A_475 = arith.constant 0 : i32
    %dma_start3A_476 = arith.constant 0 : i32
    %dma_start3A_477 = tpu.memref_slice %arg3[%dma_start3A_475, %dma_start3A_476] : memref<100000x128xf32, #tpu.memory_space<hbm>> -> memref<100000x128xf32, #tpu.memory_space<hbm>>
    tpu.enqueue_indirect_dma source(%dma_start3A_477 : memref<100000x128xf32, #tpu.memory_space<hbm>>) target(%dma_start3A_471 : memref<50x128xf32, #tpu.memory_space<vmem>>) offsets(%dma_start3A_474 : memref<50xi32, #tpu.memory_space<vmem>>) semaphore(%arg7 : memref<!tpu.dma_semaphore, #tpu.memory_space<semaphore_mem>>)
    %dma_start3A_478 = arith.constant 0 : i32
    %dma_start3A_479 = arith.constant 4 : i32
    %dma_start3A_480 = arith.constant 0 : i32
    %dma_start3A_481 = arith.constant 4 : i32
    %dma_start3A_482 = arith.constant 0 : i32
    %dma_start3A_483 = arith.constant 0 : i32
    %dma_start3A_484 = tpu.memref_slice %arg6[%dma_start3A_480, %dma_start3A_481, %dma_start3A_482, %dma_start3A_483] : memref<2x8x50x128xf32, #tpu.memory_space<vmem>> -> memref<1x1x50x128xf32, #tpu.memory_space<vmem>>
    %dma_start3A_485 = tpu.memref_squeeze %dma_start3A_484 : memref<1x1x50x128xf32, #tpu.memory_space<vmem>> -> memref<50x128xf32, #tpu.memory_space<vmem>>
    %dma_start3A_486 = arith.constant 0 : i32
    %dma_start3A_487 = tpu.memref_slice %arg5[%dma_start3A_478, %dma_start3A_479, %dma_start3A_486] : memref<2x8x50xi32, #tpu.memory_space<vmem>> -> memref<1x1x50xi32, #tpu.memory_space<vmem>>
    %dma_start3A_488 = tpu.memref_squeeze %dma_start3A_487 : memref<1x1x50xi32, #tpu.memory_space<vmem>> -> memref<50xi32, #tpu.memory_space<vmem>>
    %dma_start3A_489 = arith.constant 0 : i32
    %dma_start3A_490 = arith.constant 0 : i32
    %dma_start3A_491 = tpu.memref_slice %arg3[%dma_start3A_489, %dma_start3A_490] : memref<100000x128xf32, #tpu.memory_space<hbm>> -> memref<100000x128xf32, #tpu.memory_space<hbm>>
    tpu.enqueue_indirect_dma source(%dma_start3A_491 : memref<100000x128xf32, #tpu.memory_space<hbm>>) target(%dma_start3A_485 : memref<50x128xf32, #tpu.memory_space<vmem>>) offsets(%dma_start3A_488 : memref<50xi32, #tpu.memory_space<vmem>>) semaphore(%arg7 : memref<!tpu.dma_semaphore, #tpu.memory_space<semaphore_mem>>)
    %dma_start3A_492 = arith.constant 0 : i32
    %dma_start3A_493 = arith.constant 5 : i32
    %dma_start3A_494 = arith.constant 0 : i32
    %dma_start3A_495 = arith.constant 5 : i32
    %dma_start3A_496 = arith.constant 0 : i32
    %dma_start3A_497 = arith.constant 0 : i32
    %dma_start3A_498 = tpu.memref_slice %arg6[%dma_start3A_494, %dma_start3A_495, %dma_start3A_496, %dma_start3A_497] : memref<2x8x50x128xf32, #tpu.memory_space<vmem>> -> memref<1x1x50x128xf32, #tpu.memory_space<vmem>>
    %dma_start3A_499 = tpu.memref_squeeze %dma_start3A_498 : memref<1x1x50x128xf32, #tpu.memory_space<vmem>> -> memref<50x128xf32, #tpu.memory_space<vmem>>
    %dma_start3A_500 = arith.constant 0 : i32
    %dma_start3A_501 = tpu.memref_slice %arg5[%dma_start3A_492, %dma_start3A_493, %dma_start3A_500] : memref<2x8x50xi32, #tpu.memory_space<vmem>> -> memref<1x1x50xi32, #tpu.memory_space<vmem>>
    %dma_start3A_502 = tpu.memref_squeeze %dma_start3A_501 : memref<1x1x50xi32, #tpu.memory_space<vmem>> -> memref<50xi32, #tpu.memory_space<vmem>>
    %dma_start3A_503 = arith.constant 0 : i32
    %dma_start3A_504 = arith.constant 0 : i32
    %dma_start3A_505 = tpu.memref_slice %arg3[%dma_start3A_503, %dma_start3A_504] : memref<100000x128xf32, #tpu.memory_space<hbm>> -> memref<100000x128xf32, #tpu.memory_space<hbm>>
    tpu.enqueue_indirect_dma source(%dma_start3A_505 : memref<100000x128xf32, #tpu.memory_space<hbm>>) target(%dma_start3A_499 : memref<50x128xf32, #tpu.memory_space<vmem>>) offsets(%dma_start3A_502 : memref<50xi32, #tpu.memory_space<vmem>>) semaphore(%arg7 : memref<!tpu.dma_semaphore, #tpu.memory_space<semaphore_mem>>)
    %dma_start3A_506 = arith.constant 0 : i32
    %dma_start3A_507 = arith.constant 6 : i32
    %dma_start3A_508 = arith.constant 0 : i32
    %dma_start3A_509 = arith.constant 6 : i32
    %dma_start3A_510 = arith.constant 0 : i32
    %dma_start3A_511 = arith.constant 0 : i32
    %dma_start3A_512 = tpu.memref_slice %arg6[%dma_start3A_508, %dma_start3A_509, %dma_start3A_510, %dma_start3A_511] : memref<2x8x50x128xf32, #tpu.memory_space<vmem>> -> memref<1x1x50x128xf32, #tpu.memory_space<vmem>>
    %dma_start3A_513 = tpu.memref_squeeze %dma_start3A_512 : memref<1x1x50x128xf32, #tpu.memory_space<vmem>> -> memref<50x128xf32, #tpu.memory_space<vmem>>
    %dma_start3A_514 = arith.constant 0 : i32
    %dma_start3A_515 = tpu.memref_slice %arg5[%dma_start3A_506, %dma_start3A_507, %dma_start3A_514] : memref<2x8x50xi32, #tpu.memory_space<vmem>> -> memref<1x1x50xi32, #tpu.memory_space<vmem>>
    %dma_start3A_516 = tpu.memref_squeeze %dma_start3A_515 : memref<1x1x50xi32, #tpu.memory_space<vmem>> -> memref<50xi32, #tpu.memory_space<vmem>>
    %dma_start3A_517 = arith.constant 0 : i32
    %dma_start3A_518 = arith.constant 0 : i32
    %dma_start3A_519 = tpu.memref_slice %arg3[%dma_start3A_517, %dma_start3A_518] : memref<100000x128xf32, #tpu.memory_space<hbm>> -> memref<100000x128xf32, #tpu.memory_space<hbm>>
    tpu.enqueue_indirect_dma source(%dma_start3A_519 : memref<100000x128xf32, #tpu.memory_space<hbm>>) target(%dma_start3A_513 : memref<50x128xf32, #tpu.memory_space<vmem>>) offsets(%dma_start3A_516 : memref<50xi32, #tpu.memory_space<vmem>>) semaphore(%arg7 : memref<!tpu.dma_semaphore, #tpu.memory_space<semaphore_mem>>)
    %dma_start3A_520 = arith.constant 0 : i32
    %dma_start3A_521 = arith.constant 7 : i32
    %dma_start3A_522 = arith.constant 0 : i32
    %dma_start3A_523 = arith.constant 7 : i32
    %dma_start3A_524 = arith.constant 0 : i32
    %dma_start3A_525 = arith.constant 0 : i32
    %dma_start3A_526 = tpu.memref_slice %arg6[%dma_start3A_522, %dma_start3A_523, %dma_start3A_524, %dma_start3A_525] : memref<2x8x50x128xf32, #tpu.memory_space<vmem>> -> memref<1x1x50x128xf32, #tpu.memory_space<vmem>>
    %dma_start3A_527 = tpu.memref_squeeze %dma_start3A_526 : memref<1x1x50x128xf32, #tpu.memory_space<vmem>> -> memref<50x128xf32, #tpu.memory_space<vmem>>
    %dma_start3A_528 = arith.constant 0 : i32
    %dma_start3A_529 = tpu.memref_slice %arg5[%dma_start3A_520, %dma_start3A_521, %dma_start3A_528] : memref<2x8x50xi32, #tpu.memory_space<vmem>> -> memref<1x1x50xi32, #tpu.memory_space<vmem>>
    %dma_start3A_530 = tpu.memref_squeeze %dma_start3A_529 : memref<1x1x50xi32, #tpu.memory_space<vmem>> -> memref<50xi32, #tpu.memory_space<vmem>>
    %dma_start3A_531 = arith.constant 0 : i32
    %dma_start3A_532 = arith.constant 0 : i32
    %dma_start3A_533 = tpu.memref_slice %arg3[%dma_start3A_531, %dma_start3A_532] : memref<100000x128xf32, #tpu.memory_space<hbm>> -> memref<100000x128xf32, #tpu.memory_space<hbm>>
    tpu.enqueue_indirect_dma source(%dma_start3A_533 : memref<100000x128xf32, #tpu.memory_space<hbm>>) target(%dma_start3A_527 : memref<50x128xf32, #tpu.memory_space<vmem>>) offsets(%dma_start3A_530 : memref<50xi32, #tpu.memory_space<vmem>>) semaphore(%arg7 : memref<!tpu.dma_semaphore, #tpu.memory_space<semaphore_mem>>)
    %dma_wait3A_534 = arith.constant 0 : i32
    %dma_wait3A_535 = arith.constant 0 : i32
    %dma_wait3A_536 = arith.constant 0 : i32
    %dma_wait3A_537 = arith.constant 0 : i32
    %dma_wait3A_538 = tpu.memref_slice %arg6[%dma_wait3A_534, %dma_wait3A_535, %dma_wait3A_536, %dma_wait3A_537] : memref<2x8x50x128xf32, #tpu.memory_space<vmem>> -> memref<1x8x50x128xf32, #tpu.memory_space<vmem>>
    %dma_wait3A_539 = tpu.memref_squeeze %dma_wait3A_538 : memref<1x8x50x128xf32, #tpu.memory_space<vmem>> -> memref<8x50x128xf32, #tpu.memory_space<vmem>>
    %dma_wait3A_540 = arith.constant 0 : i32
    %dma_wait3A_541 = arith.constant 0 : i32
    %dma_wait3A_542 = arith.constant 0 : i32
    %dma_wait3A_543 = tpu.memref_slice %arg4[%dma_wait3A_540, %dma_wait3A_541, %dma_wait3A_542] : memref<16384x50x128xf32, #tpu.memory_space<hbm>> -> memref<8x50x128xf32, #tpu.memory_space<hbm>>
    %dma_wait3A_544 = arith.constant 0 : i32
    %dma_wait3A_545 = arith.constant 0 : i32
    %dma_wait3A_546 = arith.constant 0 : i32
    %dma_wait3A_547 = tpu.memref_slice %arg6[%dma_wait3A_534, %dma_wait3A_544, %dma_wait3A_545, %dma_wait3A_546] : memref<2x8x50x128xf32, #tpu.memory_space<vmem>> -> memref<1x8x50x128xf32, #tpu.memory_space<vmem>>
    %dma_wait3A_548 = tpu.memref_squeeze %dma_wait3A_547 : memref<1x8x50x128xf32, #tpu.memory_space<vmem>> -> memref<8x50x128xf32, #tpu.memory_space<vmem>>
    %dma_wait3A_549 = arith.constant 0 : i32
    %dma_wait3A_550 = arith.constant 0 : i32
    %dma_wait3A_551 = arith.constant 0 : i32
    %dma_wait3A_552 = tpu.memref_slice %arg4[%dma_wait3A_549, %dma_wait3A_550, %dma_wait3A_551] : memref<16384x50x128xf32, #tpu.memory_space<hbm>> -> memref<8x50x128xf32, #tpu.memory_space<hbm>>
    tpu.wait_dma2 semaphore(%arg7 : memref<!tpu.dma_semaphore, #tpu.memory_space<semaphore_mem>>) src(%dma_wait3A_552 : memref<8x50x128xf32, #tpu.memory_space<hbm>>) dst(%dma_wait3A_548 : memref<8x50x128xf32, #tpu.memory_space<vmem>>)
    %add3A_553 = arith.constant 496 : i32
    %add3A_554 = arith.addi %mul3A_2, %add3A_553 : i32
    %dma_start3A_555 = arith.constant 0 : i32
    %dma_start3A_556 = arith.constant 0 : i32
    %dma_start3A_557 = arith.constant 0 : i32
    %dma_start3A_558 = arith.constant 0 : i32
    %dma_start3A_559 = tpu.memref_slice %arg6[%dma_start3A_555, %dma_start3A_556, %dma_start3A_557, %dma_start3A_558] : memref<2x8x50x128xf32, #tpu.memory_space<vmem>> -> memref<1x8x50x128xf32, #tpu.memory_space<vmem>>
    %dma_start3A_560 = tpu.memref_squeeze %dma_start3A_559 : memref<1x8x50x128xf32, #tpu.memory_space<vmem>> -> memref<8x50x128xf32, #tpu.memory_space<vmem>>
    %dma_start3A_561 = arith.constant 0 : i32
    %dma_start3A_562 = arith.constant 0 : i32
    %dma_start3A_563 = tpu.memref_slice %arg4[%add3A_554, %dma_start3A_561, %dma_start3A_562] : memref<16384x50x128xf32, #tpu.memory_space<hbm>> -> memref<8x50x128xf32, #tpu.memory_space<hbm>>
    %dma_start3A_564 = arith.constant 0 : i32
    %dma_start3A_565 = arith.constant 0 : i32
    %dma_start3A_566 = tpu.memref_slice %arg4[%add3A_554, %dma_start3A_564, %dma_start3A_565] : memref<16384x50x128xf32, #tpu.memory_space<hbm>> -> memref<8x50x128xf32, #tpu.memory_space<hbm>>
    %dma_start3A_567 = arith.constant 0 : i32
    %dma_start3A_568 = arith.constant 0 : i32
    %dma_start3A_569 = arith.constant 0 : i32
    %dma_start3A_570 = tpu.memref_slice %arg6[%dma_start3A_555, %dma_start3A_567, %dma_start3A_568, %dma_start3A_569] : memref<2x8x50x128xf32, #tpu.memory_space<vmem>> -> memref<1x8x50x128xf32, #tpu.memory_space<vmem>>
    %dma_start3A_571 = tpu.memref_squeeze %dma_start3A_570 : memref<1x8x50x128xf32, #tpu.memory_space<vmem>> -> memref<8x50x128xf32, #tpu.memory_space<vmem>>
    tpu.enqueue_dma source(%dma_start3A_571 : memref<8x50x128xf32, #tpu.memory_space<vmem>>) target(%dma_start3A_566 : memref<8x50x128xf32, #tpu.memory_space<hbm>>) target_semaphore(%arg9 : memref<!tpu.dma_semaphore, #tpu.memory_space<semaphore_mem>>)
    %dma_wait3A_572 = arith.constant 1 : i32
    %dma_wait3A_573 = arith.constant 0 : i32
    %dma_wait3A_574 = arith.constant 0 : i32
    %dma_wait3A_575 = arith.constant 0 : i32
    %dma_wait3A_576 = tpu.memref_slice %arg6[%dma_wait3A_572, %dma_wait3A_573, %dma_wait3A_574, %dma_wait3A_575] : memref<2x8x50x128xf32, #tpu.memory_space<vmem>> -> memref<1x8x50x128xf32, #tpu.memory_space<vmem>>
    %dma_wait3A_577 = tpu.memref_squeeze %dma_wait3A_576 : memref<1x8x50x128xf32, #tpu.memory_space<vmem>> -> memref<8x50x128xf32, #tpu.memory_space<vmem>>
    %dma_wait3A_578 = arith.constant 0 : i32
    %dma_wait3A_579 = arith.constant 0 : i32
    %dma_wait3A_580 = tpu.memref_slice %arg4[%mul3A_2, %dma_wait3A_578, %dma_wait3A_579] : memref<16384x50x128xf32, #tpu.memory_space<hbm>> -> memref<8x50x128xf32, #tpu.memory_space<hbm>>
    %dma_wait3A_581 = arith.constant 0 : i32
    %dma_wait3A_582 = arith.constant 0 : i32
    %dma_wait3A_583 = tpu.memref_slice %arg4[%mul3A_2, %dma_wait3A_581, %dma_wait3A_582] : memref<16384x50x128xf32, #tpu.memory_space<hbm>> -> memref<8x50x128xf32, #tpu.memory_space<hbm>>
    %dma_wait3A_584 = arith.constant 0 : i32
    %dma_wait3A_585 = arith.constant 0 : i32
    %dma_wait3A_586 = arith.constant 0 : i32
    %dma_wait3A_587 = tpu.memref_slice %arg6[%dma_wait3A_572, %dma_wait3A_584, %dma_wait3A_585, %dma_wait3A_586] : memref<2x8x50x128xf32, #tpu.memory_space<vmem>> -> memref<1x8x50x128xf32, #tpu.memory_space<vmem>>
    %dma_wait3A_588 = tpu.memref_squeeze %dma_wait3A_587 : memref<1x8x50x128xf32, #tpu.memory_space<vmem>> -> memref<8x50x128xf32, #tpu.memory_space<vmem>>
    tpu.wait_dma2 semaphore(%arg10 : memref<!tpu.dma_semaphore, #tpu.memory_space<semaphore_mem>>) src(%dma_wait3A_588 : memref<8x50x128xf32, #tpu.memory_space<vmem>>) dst(%dma_wait3A_583 : memref<8x50x128xf32, #tpu.memory_space<hbm>>)
    %dma_wait3A_589 = arith.constant 1 : i32
    %dma_wait3A_590 = arith.constant 0 : i32
    %dma_wait3A_591 = arith.constant 0 : i32
    %dma_wait3A_592 = tpu.memref_slice %arg5[%dma_wait3A_589, %dma_wait3A_590, %dma_wait3A_591] : memref<2x8x50xi32, #tpu.memory_space<vmem>> -> memref<1x8x50xi32, #tpu.memory_space<vmem>>
    %dma_wait3A_593 = tpu.memref_squeeze %dma_wait3A_592 : memref<1x8x50xi32, #tpu.memory_space<vmem>> -> memref<8x50xi32, #tpu.memory_space<vmem>>
    %dma_wait3A_594 = arith.constant 0 : i32
    %dma_wait3A_595 = tpu.memref_slice %arg2[%mul3A_2, %dma_wait3A_594] : memref<16384x50xi32, #tpu.memory_space<hbm>> -> memref<8x50xi32, #tpu.memory_space<hbm>>
    %dma_wait3A_596 = arith.constant 0 : i32
    %dma_wait3A_597 = arith.constant 0 : i32
    %dma_wait3A_598 = tpu.memref_slice %arg5[%dma_wait3A_589, %dma_wait3A_596, %dma_wait3A_597] : memref<2x8x50xi32, #tpu.memory_space<vmem>> -> memref<1x8x50xi32, #tpu.memory_space<vmem>>
    %dma_wait3A_599 = tpu.memref_squeeze %dma_wait3A_598 : memref<1x8x50xi32, #tpu.memory_space<vmem>> -> memref<8x50xi32, #tpu.memory_space<vmem>>
    %dma_wait3A_600 = arith.constant 0 : i32
    %dma_wait3A_601 = tpu.memref_slice %arg2[%mul3A_2, %dma_wait3A_600] : memref<16384x50xi32, #tpu.memory_space<hbm>> -> memref<8x50xi32, #tpu.memory_space<hbm>>
    tpu.wait_dma2 semaphore(%arg12 : memref<!tpu.dma_semaphore, #tpu.memory_space<semaphore_mem>>) src(%dma_wait3A_601 : memref<8x50xi32, #tpu.memory_space<hbm>>) dst(%dma_wait3A_599 : memref<8x50xi32, #tpu.memory_space<vmem>>)
    %dma_start3A_602 = arith.constant 1 : i32
    %dma_start3A_603 = arith.constant 0 : i32
    %dma_start3A_604 = arith.constant 1 : i32
    %dma_start3A_605 = arith.constant 0 : i32
    %dma_start3A_606 = arith.constant 0 : i32
    %dma_start3A_607 = arith.constant 0 : i32
    %dma_start3A_608 = tpu.memref_slice %arg6[%dma_start3A_604, %dma_start3A_605, %dma_start3A_606, %dma_start3A_607] : memref<2x8x50x128xf32, #tpu.memory_space<vmem>> -> memref<1x1x50x128xf32, #tpu.memory_space<vmem>>
    %dma_start3A_609 = tpu.memref_squeeze %dma_start3A_608 : memref<1x1x50x128xf32, #tpu.memory_space<vmem>> -> memref<50x128xf32, #tpu.memory_space<vmem>>
    %dma_start3A_610 = arith.constant 0 : i32
    %dma_start3A_611 = tpu.memref_slice %arg5[%dma_start3A_602, %dma_start3A_603, %dma_start3A_610] : memref<2x8x50xi32, #tpu.memory_space<vmem>> -> memref<1x1x50xi32, #tpu.memory_space<vmem>>
    %dma_start3A_612 = tpu.memref_squeeze %dma_start3A_611 : memref<1x1x50xi32, #tpu.memory_space<vmem>> -> memref<50xi32, #tpu.memory_space<vmem>>
    %dma_start3A_613 = arith.constant 0 : i32
    %dma_start3A_614 = arith.constant 0 : i32
    %dma_start3A_615 = tpu.memref_slice %arg3[%dma_start3A_613, %dma_start3A_614] : memref<100000x128xf32, #tpu.memory_space<hbm>> -> memref<100000x128xf32, #tpu.memory_space<hbm>>
    tpu.enqueue_indirect_dma source(%dma_start3A_615 : memref<100000x128xf32, #tpu.memory_space<hbm>>) target(%dma_start3A_609 : memref<50x128xf32, #tpu.memory_space<vmem>>) offsets(%dma_start3A_612 : memref<50xi32, #tpu.memory_space<vmem>>) semaphore(%arg8 : memref<!tpu.dma_semaphore, #tpu.memory_space<semaphore_mem>>)
    %dma_start3A_616 = arith.constant 1 : i32
    %dma_start3A_617 = arith.constant 1 : i32
    %dma_start3A_618 = arith.constant 1 : i32
    %dma_start3A_619 = arith.constant 1 : i32
    %dma_start3A_620 = arith.constant 0 : i32
    %dma_start3A_621 = arith.constant 0 : i32
    %dma_start3A_622 = tpu.memref_slice %arg6[%dma_start3A_618, %dma_start3A_619, %dma_start3A_620, %dma_start3A_621] : memref<2x8x50x128xf32, #tpu.memory_space<vmem>> -> memref<1x1x50x128xf32, #tpu.memory_space<vmem>>
    %dma_start3A_623 = tpu.memref_squeeze %dma_start3A_622 : memref<1x1x50x128xf32, #tpu.memory_space<vmem>> -> memref<50x128xf32, #tpu.memory_space<vmem>>
    %dma_start3A_624 = arith.constant 0 : i32
    %dma_start3A_625 = tpu.memref_slice %arg5[%dma_start3A_616, %dma_start3A_617, %dma_start3A_624] : memref<2x8x50xi32, #tpu.memory_space<vmem>> -> memref<1x1x50xi32, #tpu.memory_space<vmem>>
    %dma_start3A_626 = tpu.memref_squeeze %dma_start3A_625 : memref<1x1x50xi32, #tpu.memory_space<vmem>> -> memref<50xi32, #tpu.memory_space<vmem>>
    %dma_start3A_627 = arith.constant 0 : i32
    %dma_start3A_628 = arith.constant 0 : i32
    %dma_start3A_629 = tpu.memref_slice %arg3[%dma_start3A_627, %dma_start3A_628] : memref<100000x128xf32, #tpu.memory_space<hbm>> -> memref<100000x128xf32, #tpu.memory_space<hbm>>
    tpu.enqueue_indirect_dma source(%dma_start3A_629 : memref<100000x128xf32, #tpu.memory_space<hbm>>) target(%dma_start3A_623 : memref<50x128xf32, #tpu.memory_space<vmem>>) offsets(%dma_start3A_626 : memref<50xi32, #tpu.memory_space<vmem>>) semaphore(%arg8 : memref<!tpu.dma_semaphore, #tpu.memory_space<semaphore_mem>>)
    %dma_start3A_630 = arith.constant 1 : i32
    %dma_start3A_631 = arith.constant 2 : i32
    %dma_start3A_632 = arith.constant 1 : i32
    %dma_start3A_633 = arith.constant 2 : i32
    %dma_start3A_634 = arith.constant 0 : i32
    %dma_start3A_635 = arith.constant 0 : i32
    %dma_start3A_636 = tpu.memref_slice %arg6[%dma_start3A_632, %dma_start3A_633, %dma_start3A_634, %dma_start3A_635] : memref<2x8x50x128xf32, #tpu.memory_space<vmem>> -> memref<1x1x50x128xf32, #tpu.memory_space<vmem>>
    %dma_start3A_637 = tpu.memref_squeeze %dma_start3A_636 : memref<1x1x50x128xf32, #tpu.memory_space<vmem>> -> memref<50x128xf32, #tpu.memory_space<vmem>>
    %dma_start3A_638 = arith.constant 0 : i32
    %dma_start3A_639 = tpu.memref_slice %arg5[%dma_start3A_630, %dma_start3A_631, %dma_start3A_638] : memref<2x8x50xi32, #tpu.memory_space<vmem>> -> memref<1x1x50xi32, #tpu.memory_space<vmem>>
    %dma_start3A_640 = tpu.memref_squeeze %dma_start3A_639 : memref<1x1x50xi32, #tpu.memory_space<vmem>> -> memref<50xi32, #tpu.memory_space<vmem>>
    %dma_start3A_641 = arith.constant 0 : i32
    %dma_start3A_642 = arith.constant 0 : i32
    %dma_start3A_643 = tpu.memref_slice %arg3[%dma_start3A_641, %dma_start3A_642] : memref<100000x128xf32, #tpu.memory_space<hbm>> -> memref<100000x128xf32, #tpu.memory_space<hbm>>
    tpu.enqueue_indirect_dma source(%dma_start3A_643 : memref<100000x128xf32, #tpu.memory_space<hbm>>) target(%dma_start3A_637 : memref<50x128xf32, #tpu.memory_space<vmem>>) offsets(%dma_start3A_640 : memref<50xi32, #tpu.memory_space<vmem>>) semaphore(%arg8 : memref<!tpu.dma_semaphore, #tpu.memory_space<semaphore_mem>>)
    %dma_start3A_644 = arith.constant 1 : i32
    %dma_start3A_645 = arith.constant 3 : i32
    %dma_start3A_646 = arith.constant 1 : i32
    %dma_start3A_647 = arith.constant 3 : i32
    %dma_start3A_648 = arith.constant 0 : i32
    %dma_start3A_649 = arith.constant 0 : i32
    %dma_start3A_650 = tpu.memref_slice %arg6[%dma_start3A_646, %dma_start3A_647, %dma_start3A_648, %dma_start3A_649] : memref<2x8x50x128xf32, #tpu.memory_space<vmem>> -> memref<1x1x50x128xf32, #tpu.memory_space<vmem>>
    %dma_start3A_651 = tpu.memref_squeeze %dma_start3A_650 : memref<1x1x50x128xf32, #tpu.memory_space<vmem>> -> memref<50x128xf32, #tpu.memory_space<vmem>>
    %dma_start3A_652 = arith.constant 0 : i32
    %dma_start3A_653 = tpu.memref_slice %arg5[%dma_start3A_644, %dma_start3A_645, %dma_start3A_652] : memref<2x8x50xi32, #tpu.memory_space<vmem>> -> memref<1x1x50xi32, #tpu.memory_space<vmem>>
    %dma_start3A_654 = tpu.memref_squeeze %dma_start3A_653 : memref<1x1x50xi32, #tpu.memory_space<vmem>> -> memref<50xi32, #tpu.memory_space<vmem>>
    %dma_start3A_655 = arith.constant 0 : i32
    %dma_start3A_656 = arith.constant 0 : i32
    %dma_start3A_657 = tpu.memref_slice %arg3[%dma_start3A_655, %dma_start3A_656] : memref<100000x128xf32, #tpu.memory_space<hbm>> -> memref<100000x128xf32, #tpu.memory_space<hbm>>
    tpu.enqueue_indirect_dma source(%dma_start3A_657 : memref<100000x128xf32, #tpu.memory_space<hbm>>) target(%dma_start3A_651 : memref<50x128xf32, #tpu.memory_space<vmem>>) offsets(%dma_start3A_654 : memref<50xi32, #tpu.memory_space<vmem>>) semaphore(%arg8 : memref<!tpu.dma_semaphore, #tpu.memory_space<semaphore_mem>>)
    %dma_start3A_658 = arith.constant 1 : i32
    %dma_start3A_659 = arith.constant 4 : i32
    %dma_start3A_660 = arith.constant 1 : i32
    %dma_start3A_661 = arith.constant 4 : i32
    %dma_start3A_662 = arith.constant 0 : i32
    %dma_start3A_663 = arith.constant 0 : i32
    %dma_start3A_664 = tpu.memref_slice %arg6[%dma_start3A_660, %dma_start3A_661, %dma_start3A_662, %dma_start3A_663] : memref<2x8x50x128xf32, #tpu.memory_space<vmem>> -> memref<1x1x50x128xf32, #tpu.memory_space<vmem>>
    %dma_start3A_665 = tpu.memref_squeeze %dma_start3A_664 : memref<1x1x50x128xf32, #tpu.memory_space<vmem>> -> memref<50x128xf32, #tpu.memory_space<vmem>>
    %dma_start3A_666 = arith.constant 0 : i32
    %dma_start3A_667 = tpu.memref_slice %arg5[%dma_start3A_658, %dma_start3A_659, %dma_start3A_666] : memref<2x8x50xi32, #tpu.memory_space<vmem>> -> memref<1x1x50xi32, #tpu.memory_space<vmem>>
    %dma_start3A_668 = tpu.memref_squeeze %dma_start3A_667 : memref<1x1x50xi32, #tpu.memory_space<vmem>> -> memref<50xi32, #tpu.memory_space<vmem>>
    %dma_start3A_669 = arith.constant 0 : i32
    %dma_start3A_670 = arith.constant 0 : i32
    %dma_start3A_671 = tpu.memref_slice %arg3[%dma_start3A_669, %dma_start3A_670] : memref<100000x128xf32, #tpu.memory_space<hbm>> -> memref<100000x128xf32, #tpu.memory_space<hbm>>
    tpu.enqueue_indirect_dma source(%dma_start3A_671 : memref<100000x128xf32, #tpu.memory_space<hbm>>) target(%dma_start3A_665 : memref<50x128xf32, #tpu.memory_space<vmem>>) offsets(%dma_start3A_668 : memref<50xi32, #tpu.memory_space<vmem>>) semaphore(%arg8 : memref<!tpu.dma_semaphore, #tpu.memory_space<semaphore_mem>>)
    %dma_start3A_672 = arith.constant 1 : i32
    %dma_start3A_673 = arith.constant 5 : i32
    %dma_start3A_674 = arith.constant 1 : i32
    %dma_start3A_675 = arith.constant 5 : i32
    %dma_start3A_676 = arith.constant 0 : i32
    %dma_start3A_677 = arith.constant 0 : i32
    %dma_start3A_678 = tpu.memref_slice %arg6[%dma_start3A_674, %dma_start3A_675, %dma_start3A_676, %dma_start3A_677] : memref<2x8x50x128xf32, #tpu.memory_space<vmem>> -> memref<1x1x50x128xf32, #tpu.memory_space<vmem>>
    %dma_start3A_679 = tpu.memref_squeeze %dma_start3A_678 : memref<1x1x50x128xf32, #tpu.memory_space<vmem>> -> memref<50x128xf32, #tpu.memory_space<vmem>>
    %dma_start3A_680 = arith.constant 0 : i32
    %dma_start3A_681 = tpu.memref_slice %arg5[%dma_start3A_672, %dma_start3A_673, %dma_start3A_680] : memref<2x8x50xi32, #tpu.memory_space<vmem>> -> memref<1x1x50xi32, #tpu.memory_space<vmem>>
    %dma_start3A_682 = tpu.memref_squeeze %dma_start3A_681 : memref<1x1x50xi32, #tpu.memory_space<vmem>> -> memref<50xi32, #tpu.memory_space<vmem>>
    %dma_start3A_683 = arith.constant 0 : i32
    %dma_start3A_684 = arith.constant 0 : i32
    %dma_start3A_685 = tpu.memref_slice %arg3[%dma_start3A_683, %dma_start3A_684] : memref<100000x128xf32, #tpu.memory_space<hbm>> -> memref<100000x128xf32, #tpu.memory_space<hbm>>
    tpu.enqueue_indirect_dma source(%dma_start3A_685 : memref<100000x128xf32, #tpu.memory_space<hbm>>) target(%dma_start3A_679 : memref<50x128xf32, #tpu.memory_space<vmem>>) offsets(%dma_start3A_682 : memref<50xi32, #tpu.memory_space<vmem>>) semaphore(%arg8 : memref<!tpu.dma_semaphore, #tpu.memory_space<semaphore_mem>>)
    %dma_start3A_686 = arith.constant 1 : i32
    %dma_start3A_687 = arith.constant 6 : i32
    %dma_start3A_688 = arith.constant 1 : i32
    %dma_start3A_689 = arith.constant 6 : i32
    %dma_start3A_690 = arith.constant 0 : i32
    %dma_start3A_691 = arith.constant 0 : i32
    %dma_start3A_692 = tpu.memref_slice %arg6[%dma_start3A_688, %dma_start3A_689, %dma_start3A_690, %dma_start3A_691] : memref<2x8x50x128xf32, #tpu.memory_space<vmem>> -> memref<1x1x50x128xf32, #tpu.memory_space<vmem>>
    %dma_start3A_693 = tpu.memref_squeeze %dma_start3A_692 : memref<1x1x50x128xf32, #tpu.memory_space<vmem>> -> memref<50x128xf32, #tpu.memory_space<vmem>>
    %dma_start3A_694 = arith.constant 0 : i32
    %dma_start3A_695 = tpu.memref_slice %arg5[%dma_start3A_686, %dma_start3A_687, %dma_start3A_694] : memref<2x8x50xi32, #tpu.memory_space<vmem>> -> memref<1x1x50xi32, #tpu.memory_space<vmem>>
    %dma_start3A_696 = tpu.memref_squeeze %dma_start3A_695 : memref<1x1x50xi32, #tpu.memory_space<vmem>> -> memref<50xi32, #tpu.memory_space<vmem>>
    %dma_start3A_697 = arith.constant 0 : i32
    %dma_start3A_698 = arith.constant 0 : i32
    %dma_start3A_699 = tpu.memref_slice %arg3[%dma_start3A_697, %dma_start3A_698] : memref<100000x128xf32, #tpu.memory_space<hbm>> -> memref<100000x128xf32, #tpu.memory_space<hbm>>
    tpu.enqueue_indirect_dma source(%dma_start3A_699 : memref<100000x128xf32, #tpu.memory_space<hbm>>) target(%dma_start3A_693 : memref<50x128xf32, #tpu.memory_space<vmem>>) offsets(%dma_start3A_696 : memref<50xi32, #tpu.memory_space<vmem>>) semaphore(%arg8 : memref<!tpu.dma_semaphore, #tpu.memory_space<semaphore_mem>>)
    %dma_start3A_700 = arith.constant 1 : i32
    %dma_start3A_701 = arith.constant 7 : i32
    %dma_start3A_702 = arith.constant 1 : i32
    %dma_start3A_703 = arith.constant 7 : i32
    %dma_start3A_704 = arith.constant 0 : i32
    %dma_start3A_705 = arith.constant 0 : i32
    %dma_start3A_706 = tpu.memref_slice %arg6[%dma_start3A_702, %dma_start3A_703, %dma_start3A_704, %dma_start3A_705] : memref<2x8x50x128xf32, #tpu.memory_space<vmem>> -> memref<1x1x50x128xf32, #tpu.memory_space<vmem>>
    %dma_start3A_707 = tpu.memref_squeeze %dma_start3A_706 : memref<1x1x50x128xf32, #tpu.memory_space<vmem>> -> memref<50x128xf32, #tpu.memory_space<vmem>>
    %dma_start3A_708 = arith.constant 0 : i32
    %dma_start3A_709 = tpu.memref_slice %arg5[%dma_start3A_700, %dma_start3A_701, %dma_start3A_708] : memref<2x8x50xi32, #tpu.memory_space<vmem>> -> memref<1x1x50xi32, #tpu.memory_space<vmem>>
    %dma_start3A_710 = tpu.memref_squeeze %dma_start3A_709 : memref<1x1x50xi32, #tpu.memory_space<vmem>> -> memref<50xi32, #tpu.memory_space<vmem>>
    %dma_start3A_711 = arith.constant 0 : i32
    %dma_start3A_712 = arith.constant 0 : i32
    %dma_start3A_713 = tpu.memref_slice %arg3[%dma_start3A_711, %dma_start3A_712] : memref<100000x128xf32, #tpu.memory_space<hbm>> -> memref<100000x128xf32, #tpu.memory_space<hbm>>
    tpu.enqueue_indirect_dma source(%dma_start3A_713 : memref<100000x128xf32, #tpu.memory_space<hbm>>) target(%dma_start3A_707 : memref<50x128xf32, #tpu.memory_space<vmem>>) offsets(%dma_start3A_710 : memref<50xi32, #tpu.memory_space<vmem>>) semaphore(%arg8 : memref<!tpu.dma_semaphore, #tpu.memory_space<semaphore_mem>>)
    %dma_wait3A_714 = arith.constant 1 : i32
    %dma_wait3A_715 = arith.constant 0 : i32
    %dma_wait3A_716 = arith.constant 0 : i32
    %dma_wait3A_717 = arith.constant 0 : i32
    %dma_wait3A_718 = tpu.memref_slice %arg6[%dma_wait3A_714, %dma_wait3A_715, %dma_wait3A_716, %dma_wait3A_717] : memref<2x8x50x128xf32, #tpu.memory_space<vmem>> -> memref<1x8x50x128xf32, #tpu.memory_space<vmem>>
    %dma_wait3A_719 = tpu.memref_squeeze %dma_wait3A_718 : memref<1x8x50x128xf32, #tpu.memory_space<vmem>> -> memref<8x50x128xf32, #tpu.memory_space<vmem>>
    %dma_wait3A_720 = arith.constant 0 : i32
    %dma_wait3A_721 = arith.constant 0 : i32
    %dma_wait3A_722 = arith.constant 0 : i32
    %dma_wait3A_723 = tpu.memref_slice %arg4[%dma_wait3A_720, %dma_wait3A_721, %dma_wait3A_722] : memref<16384x50x128xf32, #tpu.memory_space<hbm>> -> memref<8x50x128xf32, #tpu.memory_space<hbm>>
    %dma_wait3A_724 = arith.constant 0 : i32
    %dma_wait3A_725 = arith.constant 0 : i32
    %dma_wait3A_726 = arith.constant 0 : i32
    %dma_wait3A_727 = tpu.memref_slice %arg6[%dma_wait3A_714, %dma_wait3A_724, %dma_wait3A_725, %dma_wait3A_726] : memref<2x8x50x128xf32, #tpu.memory_space<vmem>> -> memref<1x8x50x128xf32, #tpu.memory_space<vmem>>
    %dma_wait3A_728 = tpu.memref_squeeze %dma_wait3A_727 : memref<1x8x50x128xf32, #tpu.memory_space<vmem>> -> memref<8x50x128xf32, #tpu.memory_space<vmem>>
    %dma_wait3A_729 = arith.constant 0 : i32
    %dma_wait3A_730 = arith.constant 0 : i32
    %dma_wait3A_731 = arith.constant 0 : i32
    %dma_wait3A_732 = tpu.memref_slice %arg4[%dma_wait3A_729, %dma_wait3A_730, %dma_wait3A_731] : memref<16384x50x128xf32, #tpu.memory_space<hbm>> -> memref<8x50x128xf32, #tpu.memory_space<hbm>>
    tpu.wait_dma2 semaphore(%arg8 : memref<!tpu.dma_semaphore, #tpu.memory_space<semaphore_mem>>) src(%dma_wait3A_732 : memref<8x50x128xf32, #tpu.memory_space<hbm>>) dst(%dma_wait3A_728 : memref<8x50x128xf32, #tpu.memory_space<vmem>>)
    %add3A_733 = arith.constant 504 : i32
    %add3A_734 = arith.addi %mul3A_2, %add3A_733 : i32
    %dma_start3A_735 = arith.constant 1 : i32
    %dma_start3A_736 = arith.constant 0 : i32
    %dma_start3A_737 = arith.constant 0 : i32
    %dma_start3A_738 = arith.constant 0 : i32
    %dma_start3A_739 = tpu.memref_slice %arg6[%dma_start3A_735, %dma_start3A_736, %dma_start3A_737, %dma_start3A_738] : memref<2x8x50x128xf32, #tpu.memory_space<vmem>> -> memref<1x8x50x128xf32, #tpu.memory_space<vmem>>
    %dma_start3A_740 = tpu.memref_squeeze %dma_start3A_739 : memref<1x8x50x128xf32, #tpu.memory_space<vmem>> -> memref<8x50x128xf32, #tpu.memory_space<vmem>>
    %dma_start3A_741 = arith.constant 0 : i32
    %dma_start3A_742 = arith.constant 0 : i32
    %dma_start3A_743 = tpu.memref_slice %arg4[%add3A_734, %dma_start3A_741, %dma_start3A_742] : memref<16384x50x128xf32, #tpu.memory_space<hbm>> -> memref<8x50x128xf32, #tpu.memory_space<hbm>>
    %dma_start3A_744 = arith.constant 0 : i32
    %dma_start3A_745 = arith.constant 0 : i32
    %dma_start3A_746 = tpu.memref_slice %arg4[%add3A_734, %dma_start3A_744, %dma_start3A_745] : memref<16384x50x128xf32, #tpu.memory_space<hbm>> -> memref<8x50x128xf32, #tpu.memory_space<hbm>>
    %dma_start3A_747 = arith.constant 0 : i32
    %dma_start3A_748 = arith.constant 0 : i32
    %dma_start3A_749 = arith.constant 0 : i32
    %dma_start3A_750 = tpu.memref_slice %arg6[%dma_start3A_735, %dma_start3A_747, %dma_start3A_748, %dma_start3A_749] : memref<2x8x50x128xf32, #tpu.memory_space<vmem>> -> memref<1x8x50x128xf32, #tpu.memory_space<vmem>>
    %dma_start3A_751 = tpu.memref_squeeze %dma_start3A_750 : memref<1x8x50x128xf32, #tpu.memory_space<vmem>> -> memref<8x50x128xf32, #tpu.memory_space<vmem>>
    tpu.enqueue_dma source(%dma_start3A_751 : memref<8x50x128xf32, #tpu.memory_space<vmem>>) target(%dma_start3A_746 : memref<8x50x128xf32, #tpu.memory_space<hbm>>) target_semaphore(%arg10 : memref<!tpu.dma_semaphore, #tpu.memory_space<semaphore_mem>>)
    %dma_wait3A_752 = arith.constant 0 : i32
    %dma_wait3A_753 = arith.constant 0 : i32
    %dma_wait3A_754 = arith.constant 0 : i32
    %dma_wait3A_755 = arith.constant 0 : i32
    %dma_wait3A_756 = tpu.memref_slice %arg6[%dma_wait3A_752, %dma_wait3A_753, %dma_wait3A_754, %dma_wait3A_755] : memref<2x8x50x128xf32, #tpu.memory_space<vmem>> -> memref<1x8x50x128xf32, #tpu.memory_space<vmem>>
    %dma_wait3A_757 = tpu.memref_squeeze %dma_wait3A_756 : memref<1x8x50x128xf32, #tpu.memory_space<vmem>> -> memref<8x50x128xf32, #tpu.memory_space<vmem>>
    %dma_wait3A_758 = arith.constant 0 : i32
    %dma_wait3A_759 = arith.constant 0 : i32
    %dma_wait3A_760 = tpu.memref_slice %arg4[%mul3A_2, %dma_wait3A_758, %dma_wait3A_759] : memref<16384x50x128xf32, #tpu.memory_space<hbm>> -> memref<8x50x128xf32, #tpu.memory_space<hbm>>
    %dma_wait3A_761 = arith.constant 0 : i32
    %dma_wait3A_762 = arith.constant 0 : i32
    %dma_wait3A_763 = tpu.memref_slice %arg4[%mul3A_2, %dma_wait3A_761, %dma_wait3A_762] : memref<16384x50x128xf32, #tpu.memory_space<hbm>> -> memref<8x50x128xf32, #tpu.memory_space<hbm>>
    %dma_wait3A_764 = arith.constant 0 : i32
    %dma_wait3A_765 = arith.constant 0 : i32
    %dma_wait3A_766 = arith.constant 0 : i32
    %dma_wait3A_767 = tpu.memref_slice %arg6[%dma_wait3A_752, %dma_wait3A_764, %dma_wait3A_765, %dma_wait3A_766] : memref<2x8x50x128xf32, #tpu.memory_space<vmem>> -> memref<1x8x50x128xf32, #tpu.memory_space<vmem>>
    %dma_wait3A_768 = tpu.memref_squeeze %dma_wait3A_767 : memref<1x8x50x128xf32, #tpu.memory_space<vmem>> -> memref<8x50x128xf32, #tpu.memory_space<vmem>>
    tpu.wait_dma2 semaphore(%arg9 : memref<!tpu.dma_semaphore, #tpu.memory_space<semaphore_mem>>) src(%dma_wait3A_768 : memref<8x50x128xf32, #tpu.memory_space<vmem>>) dst(%dma_wait3A_763 : memref<8x50x128xf32, #tpu.memory_space<hbm>>)
    %dma_wait3A_769 = arith.constant 1 : i32
    %dma_wait3A_770 = arith.constant 0 : i32
    %dma_wait3A_771 = arith.constant 0 : i32
    %dma_wait3A_772 = arith.constant 0 : i32
    %dma_wait3A_773 = tpu.memref_slice %arg6[%dma_wait3A_769, %dma_wait3A_770, %dma_wait3A_771, %dma_wait3A_772] : memref<2x8x50x128xf32, #tpu.memory_space<vmem>> -> memref<1x8x50x128xf32, #tpu.memory_space<vmem>>
    %dma_wait3A_774 = tpu.memref_squeeze %dma_wait3A_773 : memref<1x8x50x128xf32, #tpu.memory_space<vmem>> -> memref<8x50x128xf32, #tpu.memory_space<vmem>>
    %dma_wait3A_775 = arith.constant 0 : i32
    %dma_wait3A_776 = arith.constant 0 : i32
    %dma_wait3A_777 = tpu.memref_slice %arg4[%mul3A_2, %dma_wait3A_775, %dma_wait3A_776] : memref<16384x50x128xf32, #tpu.memory_space<hbm>> -> memref<8x50x128xf32, #tpu.memory_space<hbm>>
    %dma_wait3A_778 = arith.constant 0 : i32
    %dma_wait3A_779 = arith.constant 0 : i32
    %dma_wait3A_780 = tpu.memref_slice %arg4[%mul3A_2, %dma_wait3A_778, %dma_wait3A_779] : memref<16384x50x128xf32, #tpu.memory_space<hbm>> -> memref<8x50x128xf32, #tpu.memory_space<hbm>>
    %dma_wait3A_781 = arith.constant 0 : i32
    %dma_wait3A_782 = arith.constant 0 : i32
    %dma_wait3A_783 = arith.constant 0 : i32
    %dma_wait3A_784 = tpu.memref_slice %arg6[%dma_wait3A_769, %dma_wait3A_781, %dma_wait3A_782, %dma_wait3A_783] : memref<2x8x50x128xf32, #tpu.memory_space<vmem>> -> memref<1x8x50x128xf32, #tpu.memory_space<vmem>>
    %dma_wait3A_785 = tpu.memref_squeeze %dma_wait3A_784 : memref<1x8x50x128xf32, #tpu.memory_space<vmem>> -> memref<8x50x128xf32, #tpu.memory_space<vmem>>
    tpu.wait_dma2 semaphore(%arg10 : memref<!tpu.dma_semaphore, #tpu.memory_space<semaphore_mem>>) src(%dma_wait3A_785 : memref<8x50x128xf32, #tpu.memory_space<vmem>>) dst(%dma_wait3A_780 : memref<8x50x128xf32, #tpu.memory_space<hbm>>)
    return
  }
}

</mosaic_0001>

<sc_bundles>
// kernel: kernel.3.cloned.1.call-start
scs
__scs_entry_jumppad:
0x0: {  	(pc) =	sbr.rel $0x88, $3  }
0x1: {  	(tag) =	ssettag $0x0;
	lr =	simm.s32 $0x1  }
0x2: {  	[smem:$0x3F9F] =	sst lr;
	_ =	strace $0xD0000000  }
0x3: {  	_ = 	snop  }
0x4: {  	_ = 	snop  }
0x5: {  	_ = 	snop  }
0x6: {  	_ = 	snop  }
0x7: {  	_ = 	snop  }
__scs_overlays_trampoline_lowered:
0x8: {  	[smem:$0x3FAE] =	sst s0  }
0x9: {  	[smem:$0x3FAF] =	sst s1  }
0xa: {  	[smem:$0x3FB0] =	sst s2  }
0xb: {  	[smem:$0x3FB1] =	sst s3  }
0xc: {  	[smem:$0x3FB2] =	sst s4  }
0xd: {  	[smem:$0x3FB3] =	sst s5  }
0xe: {  	[smem:$0x3FB4] =	sst s6  }
0xf: {  	[smem:$0x3FB5] =	sst s7  }
0x10: {  	[smem:$0x3FB6] =	sst s8  }
0x11: {  	[smem:$0x3FB7] =	sst s9;
	s0 =	simm.s32 @!p0 $0x0  }
0x12: {  	s1 =	sld [smem:$0x3F9D];
	s0 =	simm.s32 @p0 $0x1  }
0x13: {  	[smem:$0x3FB8] =	sst s0;
	s0 =	simm.s32 @!p1 $0x0  }
0x14: {  	s2 =	sld [smem:$0x3F9C];
	s0 =	simm.s32 @p1 $0x1  }
0x15: {  	[smem:$0x3FB9] =	sst s0;
	s0 =	simm.s32 @!p2 $0x0  }
0x16: {  	s3 =	sld [smem:$0x3FDB];
	s0 =	simm.s32 @p2 $0x1  }
0x17: {  	s4 =	simm.s32 $0x1BF5;
	[smem:$0x3FBB] =	sst s0  }
0x18: {  	s0 =	sld [smem:$0x3F9E];
	_ =	swait.ge [sflag:s4], $0x0  }
0x19: {  	s7 =	sld [smem:$0x3F9F]  }
0x1a: {  	s8 =	sadd.s32 $0xFFFFE003, lr  }
0x1b: {  	s9 =	sadd.s32 $0xFFFFFEF7, lr;
	s5 =	simm.s32 $0xFFFFFFFF;
	p2 =	slt.u32 s8, $0xFFFFF086  }
0x1c: {  	p1 =	slt.u32 s9, $0xF7A;
	s5 =	simm.s32 @!p2 $0x0  }
0x1d: {  	s5 =	simm.s32 @p1 $0x1;
	p0 =	seq.s32 s7, s2  }
0x1e: {  	s7 =	smul.u32 @!p0 $0xF7A, s2;
	p2 =	seq.s32 @!p0 s5, $0x0  }
0x1f: {  	s9 =	smul.u32 $0xF7A, s1;
	s8 =	simm.s32 @!p0 $0x1BF5;
	p2 =	por !p2, p0  }
0x20: {  	[sflag:s8] =	ssyncset.s32 @!p0 $0xFFFFF086;
	s6 =	sadd.s32 @!p0 s3, s7;
	s7 =	simm.s32 @!p0 $0x108  }
0x21: {  	s3 =	sadd.s32 s3, s9;
	s6 =	sadd.s32 @!p0 $0x88, s6;
	s7 =	simm.s32 @p2 $0x1082  }
0x22: {  	[simem:s7], [sflag:s8] =	dma.local @!p0 [hbm:s6], $0xF7A  }
0x23: {  	s9 =	sor.u32 $0xD0000000, s2;
	s6 =	simm.s32 $0x108;
	_ =	swait.ge @!p0 [sflag:s8], $0x0  }
0x24: {  	s3 =	sadd.s32 $0x88, s3;
	s6 =	simm.s32 @!p1 $0x1082;
	[sflag:s4] =	ssyncset.s32 $0xFFFFF086  }
0x25: {  	[simem:s6], [sflag:s4] =	dma.local [hbm:s3], $0xF7A  }
0x26: {  	[smem:$0x3F9F] =	sst s1;
	(tag) =	ssettag s2;
	_ =	strace s9  }
0x27: {  	s1 =	sld [smem:$0x3FAF]  }
0x28: {  	s2 =	sld [smem:$0x3FB0]  }
0x29: {  	s4 =	sld [smem:$0x3FB2]  }
0x2a: {  	p0 =	seq.s32 s5, $0x0;
	s5 =	sld [smem:$0x3FB3]  }
0x2b: {  	s6 =	sld [smem:$0x3FB4]  }
0x2c: {  	s7 =	sld [smem:$0x3FB5]  }
0x2d: {  	s3 =	simm.s32 $0x108;
	s8 =	sld [smem:$0x3FB6]  }
0x2e: {  	s3 =	simm.s32 @!p0 $0x1082;
	s9 =	sld [smem:$0x3FB7]  }
0x2f: {  	lr =	sadd.s32 s0, s3;
	s0 =	sld [smem:$0x3FAE]  }
0x30: {  	s3 =	sld [smem:$0x3FB1]  }
0x31: {  	[smem:$0x3FBA] =	sst s10  }
0x32: {  	s10 =	sld [smem:$0x3FB8];
	_ =	sdelay $0x3  }
0x33: {  	p0 =	seq.s32 s10, $0x1;
	s10 =	sld [smem:$0x3FBA];
	_ =	sdelay $0x3  }
0x34: {  	[smem:$0x3FBA] =	sst s10  }
0x35: {  	s10 =	sld [smem:$0x3FB9];
	_ =	sdelay $0x3  }
0x36: {  	p1 =	seq.s32 s10, $0x1;
	s10 =	sld [smem:$0x3FBA];
	_ =	sdelay $0x3  }
0x37: {  	[smem:$0x3FBA] =	sst s10  }
0x38: {  	s10 =	sld [smem:$0x3FBB]  }
0x39: {  	_ = 	snop;
	(pc) =	sbr.ind lr, $3  }
0x3a: {  	_ = 	snop  }
0x3b: {  	_ = 	snop  }
0x3c: {  	p2 =	seq.s32 s10, $0x1;
	s10 =	sld [smem:$0x3FBA]  }
0x3d: {  	_ =	shalt  }
0x3e: {  	_ =	shalt  }
0x3f: {  	_ =	shalt  }
0x40: {  	_ =	shalt  }
0x41: {  	_ =	shalt  }
0x42: {  	_ =	shalt  }
0x43: {  	_ =	shalt  }
0x44: {  	_ =	shalt  }
0x45: {  	_ =	shalt  }
0x46: {  	_ =	shalt  }
0x47: {  	_ =	shalt  }
0x48: {  	_ =	shalt  }
0x49: {  	_ =	shalt  }
0x4a: {  	_ =	shalt  }
0x4b: {  	_ =	shalt  }
0x4c: {  	_ =	shalt  }
0x4d: {  	_ =	shalt  }
0x4e: {  	_ =	shalt  }
0x4f: {  	_ =	shalt  }
0x50: {  	_ =	shalt  }
0x51: {  	_ =	shalt  }
0x52: {  	_ =	shalt  }
0x53: {  	_ =	shalt  }
0x54: {  	_ =	shalt  }
0x55: {  	_ =	shalt  }
0x56: {  	_ =	shalt  }
0x57: {  	_ =	shalt  }
0x58: {  	_ =	shalt  }
0x59: {  	_ =	shalt  }
0x5a: {  	_ =	shalt  }
0x5b: {  	_ =	shalt  }
0x5c: {  	_ =	shalt  }
0x5d: {  	_ =	shalt  }
0x5e: {  	_ =	shalt  }
0x5f: {  	_ =	shalt  }
0x60: {  	_ =	shalt  }
0x61: {  	_ =	shalt  }
0x62: {  	_ =	shalt  }
0x63: {  	_ =	shalt  }
0x64: {  	_ =	shalt  }
0x65: {  	_ =	shalt  }
0x66: {  	_ =	shalt  }
0x67: {  	_ =	shalt  }
0x68: {  	_ =	shalt  }
0x69: {  	_ =	shalt  }
0x6a: {  	_ =	shalt  }
0x6b: {  	_ =	shalt  }
0x6c: {  	_ =	shalt  }
0x6d: {  	_ =	shalt  }
0x6e: {  	_ =	shalt  }
0x6f: {  	_ =	shalt  }
0x70: {  	_ =	shalt  }
0x71: {  	_ =	shalt  }
0x72: {  	_ =	shalt  }
0x73: {  	_ =	shalt  }
0x74: {  	_ =	shalt  }
0x75: {  	_ =	shalt  }
0x76: {  	_ =	shalt  }
0x77: {  	_ =	shalt  }
0x78: {  	_ =	shalt  }
0x79: {  	_ =	shalt  }
0x7a: {  	_ =	shalt  }
0x7b: {  	_ =	shalt  }
0x7c: {  	_ =	shalt  }
0x7d: {  	_ =	shalt  }
0x7e: {  	_ =	shalt  }
0x7f: {  	_ =	shalt  }
0x80: {  	_ =	shalt  }
0x81: {  	_ =	shalt  }
0x82: {  	_ =	shalt  }
0x83: {  	_ =	shalt  }
0x84: {  	_ =	shalt  }
0x85: {  	_ =	shalt  }
0x86: {  	_ =	shalt  }
0x87: {  	_ =	shalt  }
.Lfunc_end0:
.L_simem_size_0:
called_computation_lowered:
.L_overlay_start_0:
0x88: {  	s2 =	sld [smem:$0x3FD9]  }
0x89: {  	s3 =	sld [smem:$0x3FFE];
	_ =	sdelay $0x1  }
0x8a: {  	s1 =	srdreg.scid  }
0x8b: {  	s0 =	sand.u32 $0x1, s1  }
0x8c: {  	s17 =	sshll.u32 s0, $0xA;
	s2 =	sadd.s32 s3, s2  }
0x8d: {  	s2 =	sadd.s32 s2, s17  }
0x8e: {  	[smem:$0x3FC6] =	sst s2  }
0x8f: {  	_ = 	snop  }
0x90: {  	s2 =	sld [smem:$0x3FC8]  }
0x91: {  	s18 =	sld [smem:$0x3FD0];
	(tm) =	ssettm $0x1  }
0x92: {  	s4 =	sld [smem:$0x3FFB];
	_ =	sdelay $0x3  }
0x93: {  	_ =	strace s4  }
0x94: {  	s4 =	sld [smem:$0x3FFC];
	_ =	sdelay $0x3  }
0x95: {  	_ =	strace s4  }
0x96: {  	s4 =	sld [smem:$0x3FFD];
	_ =	sdelay $0x3  }
0x97: {  	_ =	strace s4  }
0x98: {  	_ =	strace $0x8FFFFFFF  }
0x99: {  	s19 =	sld [smem:$0x3FDB];
	_ =	sdelay $0x1  }
0x9a: {  	s5 =	simm.s32 $_scs_section_size  }
0x9b: {  	s6 =	simm.s32 $_size__tile_overlayer_lowered;
	s7 =	simm.s32 $_tile_overlayer_lowered  }
0x9c: {  	s22 =	simm.s32 $0x1BFF;
	s21 =	sshll.u32 s7, $0x1;
	s4 =	sadd.s32 s5, s19  }
0x9d: {  	s8 =	simm.s32 $0x0;
	s20 =	sshll.u32 s6, $0x1;
	s6 =	sadd.s32 s21, s4  }
0x9e: {  	[timem:s8], [sflag:s22] =	dma.local [hbm:s6], s20  }
0x9f: {  	_ =	swait.ge [sflag:s22], s20  }
0xa0: {  	s5 =	ssub.s32 $0x0, s20;
	[sflag:s22] =	ssyncset.done $0x0  }
0xa1: {  	[sflag:s22] =	ssyncadd.s32 s5;
	_ =	sdelay $0x1  }
0xa2: {  	s23 =	simm.s32 $0x1B8B  }
0xa3: {  	_ =	swait.ge [sflag:s23], $0x1  }
0xa4: {  	[sflag:s23] =	ssyncset.done $0x0  }
0xa5: {  	s25 =	simm.s32 $0x1B8E;
	s24 =	sld [smem:$0x3FFE];
	[sflag:s23] =	ssyncadd.s32 $0xFFFFFFFF  }
0xa6: {  	s26 =	simm.s32 $execute0_lowered;
	[smem:$0x3FD2] =	sst s25  }
0xa7: {  	s6 =	sshll.u32 s26, $0x1;
	_ =	strace $0x80000046;
	[dreg:$0x1] =	wrdreg $0xFFFFFFFF  }
0xa8: {  	s28 =	simm.s32 $_size_execute0_lowered;
	s4 =	sadd.s32 s4, s6;
	[dreg:$0x0] =	wrdreg $0x0  }
0xa9: {  	s6 =	sshll.u32 s28, $0x1;
	[dreg:$0x2] =	wrdreg s4  }
0xaa: {  	[dreg:$0x3] =	wrdreg s6  }
0xab: {  	[dreg:$0x4] =	wrdreg $0xC0  }
0xac: {  	_ =	task [dreg:s8], $0x5FFFF  }
0xad: {  	[dreg:$0x1] =	wrdreg $0xFFFFFFFF  }
0xae: {  	[dreg:$0x0] =	wrdreg $0x60  }
0xaf: {  	[dreg:$0x2] =	wrdreg s18  }
0xb0: {  	[dreg:$0x3] =	wrdreg s2  }
0xb1: {  	[dreg:$0x4] =	wrdreg s24  }
0xb2: {  	[dreg:$0x5] =	wrdreg $0x9  }
0xb3: {  	_ =	task.clear_ibuf [dreg:s8], $0x6FFFF;
	_ =	strace $0x90000046  }
0xb4: {  	s29 =	simm.s32 $0x9;
	_ =	strace $0x80000048  }
0xb5: {  	_ =	swait.ge [sflag:s29], $0x1  }
0xb6: {  	[sflag:s29] =	ssyncadd.s32 $0xFFFFFFFF  }
0xb7: {  	_ =	strace $0x90000048  }
0xb8: {  	_ =	sfence  }
0xb9: {  	s30 =	sld [smem:$0x0];
	_ =	sdelay $0x2  }
0xba: {  	s31 =	sshll.u32 s1, $0xD;
	s1 =	sshrl.u32 s1, $0x2  }
0xbb: {  	s3 =	sand.u32 $0x4000, s31;
	s1 =	sadd.s32 s1, s30  }
0xbc: {  	s0 =	sor.u32 s3, s0;
	s1 =	sshll.u32 s1, $0x11  }
0xbd: {  	s0 =	sor.u32 s1, s0  }
0xbe: {  	s0 =	sadd.s32 $0x8F2B, s0  }
0xbf: {  	[sflag:s0] =	ssyncadd.remote.s32 $0x1  }
0xc0: {  	_ =	sfence.sel $0xFFFF  }
0xc1: {  	[dreg:$0x0] =	wrdreg $0xFFFFFFFF;
	(pc) =	sbr.abs _section_cstart, $3  }
0xc2: {  	[dreg:$0x1] =	wrdreg $0xFFFFFFFF  }
0xc3: {  	_ =	task.clear_ibuf [dreg:s8], $0x2FFFF;
	_ =	strace $0x9FFFFFFF  }
0xc4: {  	(tm) =	ssettm $0x7FFFFFFF  }
0xc5: {  	_ =	shalt  }
tec
execute0_lowered:
.L_overlay_start_1:
0x0: {  	(tag) =	ssettag $0x1  }
0x1: {  	s0 =	rddreg [dreg:$0x0]  }
0x2: {  	s1 =	rddreg [dreg:$0x1]  }
0x3: {  	s2 =	rddreg [dreg:$0x2];
	s4 =	srdreg.scid;
	s3 =	simm.s32 $0x0  }
0x4: {  	s10 =	stileid.u32;
	s15 =	simm.s32 $0x5;
	s16 =	simm.s32 $0x32  }
0x5: {  	s14 =	simm.s32 $0x780;
	s31 =	simm.s32 $0x2;
	s4 =	sand.u32 $0x1, s4  }
0x6: {  	[smem:$0x7FF] =	sst s3;
	s5 =	sshll.u32 s10, $0xA;
	s2 =	sadd.s32 $0x400, s2  }
0x7: {  	s25 =	smul.u32 $0xE0000, s10;
	s28 =	sshll.u32 s10, $0xE;
	s6 =	sshll.u32 s4, $0x9  }
0x8: {  	_ =	strace $0x80000047;
	s19 =	ssub.s32 $0x2, s4;
	s5 =	sor.u32 s6, s5  }
0x9: {  	s26 =	smul.u32 $0x70000, s4;
	s9 =	sshrl.u32 s19, $0x1;
	s7 =	sshll.u32 s5, $0x4  }
0xa: {  	s4 =	sshll.u32 s4, $0xD;
	s6 =	ssub.s32 s19, s9;
	s11 =	sadd.s32 s0, s7  }
0xb: {  	s8 =	smul.u32 $0x380, s5;
	s30 =	smax.u32 s6, $0x1;
	[dreg:$0x5] =	wrdreg s11  }
0xc: {  	s20 =	smul.u32 $0x1C00, s5;
	s21 =	sadd.s32 $0x80, s11;
	[dreg:$0xd] =	wrdreg s30  }
0xd: {  	s5 =	sor.u32 $0x1F8, s5;
	s22 =	sadd.s32 $0x100, s11;
	[dreg:$0x6] =	wrdreg s21  }
0xe: {  	s23 =	sshll.u32 s5, $0x4;
	s8 =	sadd.s32 s2, s8;
	[dreg:$0x7] =	wrdreg s22  }
0xf: {  	s5 =	smul.u32 $0x380, s5;
	s7 =	sshrl.u32 s20, $0x3;
	[dreg:$0x8] =	wrdreg s8  }
0x10: {  	s7 =	sadd.s32 s2, s7;
	s8 =	sadd.s32 s0, s23;
	s0 =	sadd.s32 s28, s0  }
0x11: {  	[dreg:$0x9] =	wrdreg s8;
	s24 =	sadd.s32 $0x6AC00, s7;
	s7 =	sadd.s32 $0x6C800, s7  }
0x12: {  	s8 =	sadd.s32 s25, s2;
	s2 =	sadd.s32 s2, s5;
	[dreg:$0xa] =	wrdreg s24  }
0x13: {  	s0 =	sadd.s32 s4, s0;
	s5 =	simm.s32 $0x6;
	[dreg:$0xb] =	wrdreg s7  }
0x14: {  	s4 =	simm.s32 $0x4;
	[dreg:$0xc] =	wrdreg s2;
	s29 =	sadd.s32 s26, s8  }
0x15: {  	s0 =	sadd.s32 $0x200, s0;
	s2 =	simm.s32 $0x1;
	[dreg:$0x4] =	wrdreg s29  }
0x16: {  	s8 =	simm.s32 $0x3;
	[dreg:$0xe] =	wrdreg s0;
	s0 =	simm.s32 $0x0  }
.LBB2_1:
0x17: {  	[dreg:$0xf] =	wrdreg s0  }
0x18: {  	s7 =	rddreg [dreg:$0x5]  }
0x19: {  	[tilespmem:s3], [sflag:$0x5] =	stream.linear.gather [hbm4b:s7+s3], $0x400, $0x38;
	[tilespmem:$0x1C800] =	vst v63  }
0x1a: {  	s9 =	rddreg [dreg:$0x6];
	s22 =	simm.s32 $0x400  }
0x1b: {  	[tilespmem:s22], [sflag:$0x6] =	stream.linear.gather [hbm4b:s9+s3], $0x400, $0x38;
	[tilespmem:$0x1C800] =	vst v63  }
0x1c: {  	_ =	swait.ge [sflag:s15], $0x400  }
0x1d: {  	[sflag:s15] =	ssyncset.done $0x0  }
0x1e: {  	s17 =	simm.s32 $0x800;
	[sflag:s15] =	ssyncadd.s32 $0xFFFFFC00  }
0x1f: {  	[tilespmem:s17], [sflag:$0x1] =	stream.indirect.gather [hbm4b:s1+s16], $0x80, s3, s16, $0xb8;
	[tilespmem:$0x1C800] =	vst v63  }
0x20: {  	s10 =	simm.s32 $0x80;
	s19 =	simm.s32 $0x2400  }
0x21: {  	[tilespmem:s19], [sflag:$0x1] =	stream.indirect.gather [hbm4b:s1+s16], $0x80, s10, s16, $0xb8;
	[tilespmem:$0x1C800] =	vst v63  }
0x22: {  	s26 =	simm.s32 $0x100;
	s21 =	simm.s32 $0x4000  }
0x23: {  	[tilespmem:s21], [sflag:$0x1] =	stream.indirect.gather [hbm4b:s1+s16], $0x80, s26, s16, $0xb8;
	[tilespmem:$0x1C800] =	vst v63  }
0x24: {  	s11 =	simm.s32 $0x180;
	s23 =	simm.s32 $0x5C00  }
0x25: {  	[tilespmem:s23], [sflag:$0x1] =	stream.indirect.gather [hbm4b:s1+s16], $0x80, s11, s16, $0xb8;
	[tilespmem:$0x1C800] =	vst v63  }
0x26: {  	s12 =	simm.s32 $0x200;
	s25 =	simm.s32 $0x7800  }
0x27: {  	[tilespmem:s25], [sflag:$0x1] =	stream.indirect.gather [hbm4b:s1+s16], $0x80, s12, s16, $0xb8;
	[tilespmem:$0x1C800] =	vst v63  }
0x28: {  	s13 =	simm.s32 $0x280;
	s28 =	simm.s32 $0x9400  }
0x29: {  	[tilespmem:s28], [sflag:$0x1] =	stream.indirect.gather [hbm4b:s1+s16], $0x80, s13, s16, $0xb8;
	[tilespmem:$0x1C800] =	vst v63  }
0x2a: {  	s18 =	simm.s32 $0x300;
	s30 =	simm.s32 $0xB000  }
0x2b: {  	[tilespmem:s30], [sflag:$0x1] =	stream.indirect.gather [hbm4b:s1+s16], $0x80, s18, s16, $0xb8;
	[tilespmem:$0x1C800] =	vst v63  }
0x2c: {  	s6 =	simm.s32 $0x380;
	s0 =	simm.s32 $0xCC00  }
0x2d: {  	[tilespmem:s0], [sflag:$0x1] =	stream.indirect.gather [hbm4b:s1+s16], $0x80, s6, s16, $0xb8;
	[tilespmem:$0x1C800] =	vst v63  }
0x2e: {  	_ =	swait.ge [sflag:s2], $0xC800  }
0x2f: {  	[sflag:s2] =	ssyncset.done $0x0  }
0x30: {  	s20 =	rddreg [dreg:$0x7];
	[sflag:s2] =	ssyncadd.s32 $0xFFFF3800  }
0x31: {  	[tilespmem:s3], [sflag:$0x5] =	stream.linear.gather [hbm4b:s20+s3], $0x400, $0x38;
	[tilespmem:$0x1C800] =	vst v63  }
0x32: {  	s10 =	rddreg [dreg:$0x8]  }
0x33: {  	[hbm4b:s10+s3] =	stream.linear.scatter [tilespmem:s17], [sflag:$0x3], $0x1900, $0x38;
	[tilespmem:$0x1C800] =	vst v63  }
0x34: {  	s24 =	sadd.s32 $0x380, s10  }
0x35: {  	[hbm4b:s24+s3] =	stream.linear.scatter [tilespmem:s19], [sflag:$0x3], $0x1900, $0x38;
	[tilespmem:$0x1C800] =	vst v63  }
0x36: {  	s29 =	sadd.s32 $0x700, s10  }
0x37: {  	[hbm4b:s29+s3] =	stream.linear.scatter [tilespmem:s21], [sflag:$0x3], $0x1900, $0x38;
	[tilespmem:$0x1C800] =	vst v63  }
0x38: {  	s6 =	sadd.s32 $0xA80, s10  }
0x39: {  	[hbm4b:s6+s3] =	stream.linear.scatter [tilespmem:s23], [sflag:$0x3], $0x1900, $0x38;
	[tilespmem:$0x1C800] =	vst v63  }
0x3a: {  	s9 =	sadd.s32 $0xE00, s10  }
0x3b: {  	[hbm4b:s9+s3] =	stream.linear.scatter [tilespmem:s25], [sflag:$0x3], $0x1900, $0x38;
	[tilespmem:$0x1C800] =	vst v63  }
0x3c: {  	s11 =	sadd.s32 $0x1180, s10  }
0x3d: {  	[hbm4b:s11+s3] =	stream.linear.scatter [tilespmem:s28], [sflag:$0x3], $0x1900, $0x38;
	[tilespmem:$0x1C800] =	vst v63  }
0x3e: {  	s12 =	sadd.s32 $0x1500, s10  }
0x3f: {  	[hbm4b:s12+s3] =	stream.linear.scatter [tilespmem:s30], [sflag:$0x3], $0x1900, $0x38;
	[tilespmem:$0x1C800] =	vst v63  }
0x40: {  	s13 =	sadd.s32 $0x1880, s10  }
0x41: {  	[hbm4b:s13+s3] =	stream.linear.scatter [tilespmem:s0], [sflag:$0x3], $0x1900, $0x38;
	[tilespmem:$0x1C800] =	vst v63  }
0x42: {  	_ =	swait.ge [sflag:s5], $0x400  }
0x43: {  	[sflag:s5] =	ssyncset.done $0x0  }
0x44: {  	s6 =	simm.s32 $0xE800;
	[sflag:s5] =	ssyncadd.s32 $0xFFFFFC00  }
0x45: {  	[tilespmem:s6], [sflag:$0x2] =	stream.indirect.gather [hbm4b:s1+s16], $0x80, s22, s16, $0xb8;
	[tilespmem:$0x1C800] =	vst v63  }
0x46: {  	s18 =	simm.s32 $0x480;
	s12 =	simm.s32 $0x10400  }
0x47: {  	[tilespmem:s12], [sflag:$0x2] =	stream.indirect.gather [hbm4b:s1+s16], $0x80, s18, s16, $0xb8;
	[tilespmem:$0x1C800] =	vst v63  }
0x48: {  	s20 =	simm.s32 $0x500;
	s9 =	simm.s32 $0x12000  }
0x49: {  	[tilespmem:s9], [sflag:$0x2] =	stream.indirect.gather [hbm4b:s1+s16], $0x80, s20, s16, $0xb8;
	[tilespmem:$0x1C800] =	vst v63  }
0x4a: {  	s24 =	simm.s32 $0x580;
	s11 =	simm.s32 $0x13C00  }
0x4b: {  	[tilespmem:s11], [sflag:$0x2] =	stream.indirect.gather [hbm4b:s1+s16], $0x80, s24, s16, $0xb8;
	[tilespmem:$0x1C800] =	vst v63  }
0x4c: {  	s29 =	simm.s32 $0x600;
	s13 =	simm.s32 $0x15800  }
0x4d: {  	[tilespmem:s13], [sflag:$0x2] =	stream.indirect.gather [hbm4b:s1+s16], $0x80, s29, s16, $0xb8;
	[tilespmem:$0x1C800] =	vst v63  }
0x4e: {  	s10 =	simm.s32 $0x680;
	s20 =	simm.s32 $0x17400  }
0x4f: {  	[tilespmem:s20], [sflag:$0x2] =	stream.indirect.gather [hbm4b:s1+s16], $0x80, s10, s16, $0xb8;
	[tilespmem:$0x1C800] =	vst v63  }
0x50: {  	s18 =	simm.s32 $0x700;
	s24 =	simm.s32 $0x19000  }
0x51: {  	[tilespmem:s24], [sflag:$0x2] =	stream.indirect.gather [hbm4b:s1+s16], $0x80, s18, s16, $0xb8;
	[tilespmem:$0x1C800] =	vst v63  }
0x52: {  	s29 =	simm.s32 $0x1AC00  }
0x53: {  	[tilespmem:s29], [sflag:$0x2] =	stream.indirect.gather [hbm4b:s1+s16], $0x80, s14, s16, $0xb8;
	[tilespmem:$0x1C800] =	vst v63  }
0x54: {  	_ =	swait.ge [sflag:s31], $0xC800  }
0x55: {  	s7 =	rddreg [dreg:$0x4]  }
0x56: {  	[sflag:s31] =	ssyncset.done $0x0;
	s18 =	rddreg [dreg:$0xe]  }
0x57: {  	[sflag:s31] =	ssyncadd.s32 $0xFFFF3800;
	s10 =	sadd.s32 $0xFFFFFF80, s18;
	s7 =	sadd.s32 $0x0, s7  }
0x58: {  	[tilespmem:s22], [sflag:$0x6] =	stream.linear.gather [hbm4b:s10+s3], $0x400, $0x38;
	[tilespmem:$0x1C800] =	vst v63  }
0x59: {  	s10 =	sadd.s32 $0x1C00, s7  }
0x5a: {  	[hbm4b:s10+s3] =	stream.linear.scatter [tilespmem:s6], [sflag:$0x4], $0x1900, $0x38;
	[tilespmem:$0x1C800] =	vst v63  }
0x5b: {  	s10 =	sadd.s32 $0x1F80, s7  }
0x5c: {  	[hbm4b:s10+s3] =	stream.linear.scatter [tilespmem:s12], [sflag:$0x4], $0x1900, $0x38;
	[tilespmem:$0x1C800] =	vst v63  }
0x5d: {  	s10 =	sadd.s32 $0x2300, s7  }
0x5e: {  	[hbm4b:s10+s3] =	stream.linear.scatter [tilespmem:s9], [sflag:$0x4], $0x1900, $0x38;
	[tilespmem:$0x1C800] =	vst v63  }
0x5f: {  	s10 =	sadd.s32 $0x2680, s7  }
0x60: {  	[hbm4b:s10+s3] =	stream.linear.scatter [tilespmem:s11], [sflag:$0x4], $0x1900, $0x38;
	[tilespmem:$0x1C800] =	vst v63  }
0x61: {  	s10 =	sadd.s32 $0x2A00, s7  }
0x62: {  	[hbm4b:s10+s3] =	stream.linear.scatter [tilespmem:s13], [sflag:$0x4], $0x1900, $0x38;
	[tilespmem:$0x1C800] =	vst v63  }
0x63: {  	s10 =	sadd.s32 $0x2D80, s7  }
0x64: {  	[hbm4b:s10+s3] =	stream.linear.scatter [tilespmem:s20], [sflag:$0x4], $0x1900, $0x38;
	[tilespmem:$0x1C800] =	vst v63  }
0x65: {  	s10 =	sadd.s32 $0x3100, s7  }
0x66: {  	[hbm4b:s10+s3] =	stream.linear.scatter [tilespmem:s24], [sflag:$0x4], $0x1900, $0x38;
	[tilespmem:$0x1C800] =	vst v63  }
0x67: {  	s10 =	sadd.s32 $0x3480, s7  }
0x68: {  	[hbm4b:s10+s3] =	stream.linear.scatter [tilespmem:s29], [sflag:$0x4], $0x1900, $0x38;
	[tilespmem:$0x1C800] =	vst v63  }
0x69: {  	_ =	swait.ge [sflag:s8], $0xC800  }
0x6a: {  	[sflag:s8] =	ssyncset.done $0x0  }
0x6b: {  	[sflag:s8] =	ssyncadd.s32 $0xFFFF3800  }
0x6c: {  	_ =	swait.ge [sflag:s15], $0x400  }
0x6d: {  	[sflag:s15] =	ssyncset.done $0x0  }
0x6e: {  	[sflag:s15] =	ssyncadd.s32 $0xFFFFFC00  }
0x6f: {  	[tilespmem:s17], [sflag:$0x1] =	stream.indirect.gather [hbm4b:s1+s16], $0x80, s3, s16, $0xb8;
	[tilespmem:$0x1C800] =	vst v63  }
0x70: {  	s29 =	simm.s32 $0x80  }
0x71: {  	[tilespmem:s19], [sflag:$0x1] =	stream.indirect.gather [hbm4b:s1+s16], $0x80, s29, s16, $0xb8;
	[tilespmem:$0x1C800] =	vst v63  }
0x72: {  	_ = 	snop  }
0x73: {  	[tilespmem:s21], [sflag:$0x1] =	stream.indirect.gather [hbm4b:s1+s16], $0x80, s26, s16, $0xb8;
	[tilespmem:$0x1C800] =	vst v63  }
0x74: {  	s26 =	simm.s32 $0x180  }
0x75: {  	[tilespmem:s23], [sflag:$0x1] =	stream.indirect.gather [hbm4b:s1+s16], $0x80, s26, s16, $0xb8;
	[tilespmem:$0x1C800] =	vst v63  }
0x76: {  	s29 =	simm.s32 $0x200  }
0x77: {  	[tilespmem:s25], [sflag:$0x1] =	stream.indirect.gather [hbm4b:s1+s16], $0x80, s29, s16, $0xb8;
	[tilespmem:$0x1C800] =	vst v63  }
0x78: {  	s26 =	simm.s32 $0x280  }
0x79: {  	[tilespmem:s28], [sflag:$0x1] =	stream.indirect.gather [hbm4b:s1+s16], $0x80, s26, s16, $0xb8;
	[tilespmem:$0x1C800] =	vst v63  }
0x7a: {  	s29 =	simm.s32 $0x300  }
0x7b: {  	[tilespmem:s30], [sflag:$0x1] =	stream.indirect.gather [hbm4b:s1+s16], $0x80, s29, s16, $0xb8;
	[tilespmem:$0x1C800] =	vst v63  }
0x7c: {  	s26 =	simm.s32 $0x380  }
0x7d: {  	[tilespmem:s0], [sflag:$0x1] =	stream.indirect.gather [hbm4b:s1+s16], $0x80, s26, s16, $0xb8;
	[tilespmem:$0x1C800] =	vst v63  }
0x7e: {  	_ =	swait.ge [sflag:s2], $0xC800  }
0x7f: {  	[sflag:s2] =	ssyncset.done $0x0  }
0x80: {  	[sflag:s2] =	ssyncadd.s32 $0xFFFF3800  }
0x81: {  	[tilespmem:s3], [sflag:$0x5] =	stream.linear.gather [hbm4b:s18+s3], $0x400, $0x38;
	[tilespmem:$0x1C800] =	vst v63  }
0x82: {  	s29 =	sadd.s32 $0x3800, s7  }
0x83: {  	[hbm4b:s29+s3] =	stream.linear.scatter [tilespmem:s17], [sflag:$0x3], $0x1900, $0x38;
	[tilespmem:$0x1C800] =	vst v63  }
0x84: {  	s17 =	sadd.s32 $0x3B80, s7  }
0x85: {  	[hbm4b:s17+s3] =	stream.linear.scatter [tilespmem:s19], [sflag:$0x3], $0x1900, $0x38;
	[tilespmem:$0x1C800] =	vst v63  }
0x86: {  	s26 =	sadd.s32 $0x3F00, s7  }
0x87: {  	[hbm4b:s26+s3] =	stream.linear.scatter [tilespmem:s21], [sflag:$0x3], $0x1900, $0x38;
	[tilespmem:$0x1C800] =	vst v63  }
0x88: {  	s29 =	sadd.s32 $0x4280, s7  }
0x89: {  	[hbm4b:s29+s3] =	stream.linear.scatter [tilespmem:s23], [sflag:$0x3], $0x1900, $0x38;
	[tilespmem:$0x1C800] =	vst v63  }
0x8a: {  	s17 =	sadd.s32 $0x4600, s7  }
0x8b: {  	[hbm4b:s17+s3] =	stream.linear.scatter [tilespmem:s25], [sflag:$0x3], $0x1900, $0x38;
	[tilespmem:$0x1C800] =	vst v63  }
0x8c: {  	s19 =	sadd.s32 $0x4980, s7  }
0x8d: {  	[hbm4b:s19+s3] =	stream.linear.scatter [tilespmem:s28], [sflag:$0x3], $0x1900, $0x38;
	[tilespmem:$0x1C800] =	vst v63  }
0x8e: {  	s21 =	sadd.s32 $0x4D00, s7  }
0x8f: {  	[hbm4b:s21+s3] =	stream.linear.scatter [tilespmem:s30], [sflag:$0x3], $0x1900, $0x38;
	[tilespmem:$0x1C800] =	vst v63  }
0x90: {  	s7 =	sadd.s32 $0x5080, s7  }
0x91: {  	[hbm4b:s7+s3] =	stream.linear.scatter [tilespmem:s0], [sflag:$0x3], $0x1900, $0x38;
	[tilespmem:$0x1C800] =	vst v63  }
0x92: {  	_ =	swait.ge [sflag:s4], $0xC800  }
0x93: {  	[sflag:s4] =	ssyncset.done $0x0  }
0x94: {  	[sflag:s4] =	ssyncadd.s32 $0xFFFF3800  }
0x95: {  	_ =	swait.ge [sflag:s5], $0x400  }
0x96: {  	[sflag:s5] =	ssyncset.done $0x0  }
0x97: {  	[sflag:s5] =	ssyncadd.s32 $0xFFFFFC00  }
0x98: {  	[tilespmem:s6], [sflag:$0x2] =	stream.indirect.gather [hbm4b:s1+s16], $0x80, s22, s16, $0xb8;
	[tilespmem:$0x1C800] =	vst v63  }
0x99: {  	s23 =	simm.s32 $0x480  }
0x9a: {  	[tilespmem:s12], [sflag:$0x2] =	stream.indirect.gather [hbm4b:s1+s16], $0x80, s23, s16, $0xb8;
	[tilespmem:$0x1C800] =	vst v63  }
0x9b: {  	s25 =	simm.s32 $0x500  }
0x9c: {  	[tilespmem:s9], [sflag:$0x2] =	stream.indirect.gather [hbm4b:s1+s16], $0x80, s25, s16, $0xb8;
	[tilespmem:$0x1C800] =	vst v63  }
0x9d: {  	s26 =	simm.s32 $0x580  }
0x9e: {  	[tilespmem:s11], [sflag:$0x2] =	stream.indirect.gather [hbm4b:s1+s16], $0x80, s26, s16, $0xb8;
	[tilespmem:$0x1C800] =	vst v63  }
0x9f: {  	s28 =	simm.s32 $0x600  }
0xa0: {  	[tilespmem:s13], [sflag:$0x2] =	stream.indirect.gather [hbm4b:s1+s16], $0x80, s28, s16, $0xb8;
	[tilespmem:$0x1C800] =	vst v63  }
0xa1: {  	s29 =	simm.s32 $0x680  }
0xa2: {  	[tilespmem:s20], [sflag:$0x2] =	stream.indirect.gather [hbm4b:s1+s16], $0x80, s29, s16, $0xb8;
	[tilespmem:$0x1C800] =	vst v63  }
0xa3: {  	s10 =	smov.u32 s18;
	s30 =	simm.s32 $0x700;
	s7 =	simm.s32 $0x3800  }
0xa4: {  	[tilespmem:s24], [sflag:$0x2] =	stream.indirect.gather [hbm4b:s1+s16], $0x80, s30, s16, $0xb8;
	[tilespmem:$0x1C800] =	vst v63  }
.LBB2_2:
0xa5: {  	s0 =	simm.s32 $0x1AC00  }
0xa6: {  	[tilespmem:s0], [sflag:$0x2] =	stream.indirect.gather [hbm4b:s1+s16], $0x80, s14, s16, $0xb8;
	[tilespmem:$0x1C800] =	vst v63  }
0xa7: {  	s10 =	sadd.s32 $0x100, s10;
	s18 =	smov.u32 s7;
	_ =	swait.ge [sflag:s31], $0xC800  }
0xa8: {  	s17 =	simm.s32 $0x400;
	[sflag:s31] =	ssyncset.done $0x0;
	s22 =	rddreg [dreg:$0x4]  }
0xa9: {  	s26 =	sadd.s32 $0xFFFFFF80, s10;
	[sflag:s31] =	ssyncadd.s32 $0xFFFF3800;
	s18 =	sadd.s32 s18, s22  }
0xaa: {  	[tilespmem:s17], [sflag:$0x6] =	stream.linear.gather [hbm4b:s26+s3], $0x400, $0x38;
	[tilespmem:$0x1C800] =	vst v63  }
0xab: {  	s12 =	simm.s32 $0xE800;
	s22 =	sadd.s32 $0x1C00, s18  }
0xac: {  	[hbm4b:s22+s3] =	stream.linear.scatter [tilespmem:s12], [sflag:$0x4], $0x1900, $0x38;
	[tilespmem:$0x1C800] =	vst v63  }
0xad: {  	s13 =	simm.s32 $0x10400;
	s28 =	sadd.s32 $0x1F80, s18  }
0xae: {  	[hbm4b:s28+s3] =	stream.linear.scatter [tilespmem:s13], [sflag:$0x4], $0x1900, $0x38;
	[tilespmem:$0x1C800] =	vst v63  }
0xaf: {  	s9 =	simm.s32 $0x12000;
	s29 =	sadd.s32 $0x2300, s18  }
0xb0: {  	[hbm4b:s29+s3] =	stream.linear.scatter [tilespmem:s9], [sflag:$0x4], $0x1900, $0x38;
	[tilespmem:$0x1C800] =	vst v63  }
0xb1: {  	s11 =	simm.s32 $0x13C00;
	s30 =	sadd.s32 $0x2680, s18  }
0xb2: {  	[hbm4b:s30+s3] =	stream.linear.scatter [tilespmem:s11], [sflag:$0x4], $0x1900, $0x38;
	[tilespmem:$0x1C800] =	vst v63  }
0xb3: {  	s20 =	simm.s32 $0x15800;
	s6 =	sadd.s32 $0x2A00, s18  }
0xb4: {  	[hbm4b:s6+s3] =	stream.linear.scatter [tilespmem:s20], [sflag:$0x4], $0x1900, $0x38;
	[tilespmem:$0x1C800] =	vst v63  }
0xb5: {  	s24 =	simm.s32 $0x17400;
	s19 =	sadd.s32 $0x2D80, s18  }
0xb6: {  	[hbm4b:s19+s3] =	stream.linear.scatter [tilespmem:s24], [sflag:$0x4], $0x1900, $0x38;
	[tilespmem:$0x1C800] =	vst v63  }
0xb7: {  	s21 =	sadd.s32 $0x3100, s18;
	s29 =	simm.s32 $0x19000  }
0xb8: {  	[hbm4b:s21+s3] =	stream.linear.scatter [tilespmem:s29], [sflag:$0x4], $0x1900, $0x38;
	[tilespmem:$0x1C800] =	vst v63  }
0xb9: {  	s23 =	sadd.s32 $0x3480, s18  }
0xba: {  	[hbm4b:s23+s3] =	stream.linear.scatter [tilespmem:s0], [sflag:$0x4], $0x1900, $0x38;
	[tilespmem:$0x1C800] =	vst v63  }
0xbb: {  	_ =	swait.ge [sflag:s8], $0xC800  }
0xbc: {  	[sflag:s8] =	ssyncset.done $0x0  }
0xbd: {  	[sflag:s8] =	ssyncadd.s32 $0xFFFF3800  }
0xbe: {  	_ =	swait.ge [sflag:s15], $0x400  }
0xbf: {  	[sflag:s15] =	ssyncset.done $0x0  }
0xc0: {  	s19 =	simm.s32 $0x800;
	[sflag:s15] =	ssyncadd.s32 $0xFFFFFC00  }
0xc1: {  	[tilespmem:s19], [sflag:$0x1] =	stream.indirect.gather [hbm4b:s1+s16], $0x80, s3, s16, $0xb8;
	[tilespmem:$0x1C800] =	vst v63  }
0xc2: {  	s25 =	simm.s32 $0x80;
	s21 =	simm.s32 $0x2400  }
0xc3: {  	[tilespmem:s21], [sflag:$0x1] =	stream.indirect.gather [hbm4b:s1+s16], $0x80, s25, s16, $0xb8;
	[tilespmem:$0x1C800] =	vst v63  }
0xc4: {  	s26 =	simm.s32 $0x100;
	s23 =	simm.s32 $0x4000  }
0xc5: {  	[tilespmem:s23], [sflag:$0x1] =	stream.indirect.gather [hbm4b:s1+s16], $0x80, s26, s16, $0xb8;
	[tilespmem:$0x1C800] =	vst v63  }
0xc6: {  	s28 =	simm.s32 $0x180;
	s25 =	simm.s32 $0x5C00  }
0xc7: {  	[tilespmem:s25], [sflag:$0x1] =	stream.indirect.gather [hbm4b:s1+s16], $0x80, s28, s16, $0xb8;
	[tilespmem:$0x1C800] =	vst v63  }
0xc8: {  	s30 =	simm.s32 $0x200;
	s28 =	simm.s32 $0x7800  }
0xc9: {  	[tilespmem:s28], [sflag:$0x1] =	stream.indirect.gather [hbm4b:s1+s16], $0x80, s30, s16, $0xb8;
	[tilespmem:$0x1C800] =	vst v63  }
0xca: {  	s0 =	simm.s32 $0x280;
	s30 =	simm.s32 $0x9400  }
0xcb: {  	[tilespmem:s30], [sflag:$0x1] =	stream.indirect.gather [hbm4b:s1+s16], $0x80, s0, s16, $0xb8;
	[tilespmem:$0x1C800] =	vst v63  }
0xcc: {  	s6 =	simm.s32 $0x300;
	s0 =	simm.s32 $0xB000  }
0xcd: {  	[tilespmem:s0], [sflag:$0x1] =	stream.indirect.gather [hbm4b:s1+s16], $0x80, s6, s16, $0xb8;
	[tilespmem:$0x1C800] =	vst v63  }
0xce: {  	s26 =	simm.s32 $0x380;
	s6 =	simm.s32 $0xCC00  }
0xcf: {  	[tilespmem:s6], [sflag:$0x1] =	stream.indirect.gather [hbm4b:s1+s16], $0x80, s26, s16, $0xb8;
	[tilespmem:$0x1C800] =	vst v63  }
0xd0: {  	_ =	swait.ge [sflag:s2], $0xC800  }
0xd1: {  	[sflag:s2] =	ssyncset.done $0x0  }
0xd2: {  	[sflag:s2] =	ssyncadd.s32 $0xFFFF3800  }
0xd3: {  	[tilespmem:s3], [sflag:$0x5] =	stream.linear.gather [hbm4b:s10+s3], $0x400, $0x38;
	[tilespmem:$0x1C800] =	vst v63  }
0xd4: {  	s22 =	sadd.s32 $0x3800, s18  }
0xd5: {  	[hbm4b:s22+s3] =	stream.linear.scatter [tilespmem:s19], [sflag:$0x3], $0x1900, $0x38;
	[tilespmem:$0x1C800] =	vst v63  }
0xd6: {  	s26 =	sadd.s32 $0x3B80, s18  }
0xd7: {  	[hbm4b:s26+s3] =	stream.linear.scatter [tilespmem:s21], [sflag:$0x3], $0x1900, $0x38;
	[tilespmem:$0x1C800] =	vst v63  }
0xd8: {  	s19 =	sadd.s32 $0x3F00, s18  }
0xd9: {  	[hbm4b:s19+s3] =	stream.linear.scatter [tilespmem:s23], [sflag:$0x3], $0x1900, $0x38;
	[tilespmem:$0x1C800] =	vst v63  }
0xda: {  	s21 =	sadd.s32 $0x4280, s18  }
0xdb: {  	[hbm4b:s21+s3] =	stream.linear.scatter [tilespmem:s25], [sflag:$0x3], $0x1900, $0x38;
	[tilespmem:$0x1C800] =	vst v63  }
0xdc: {  	s23 =	sadd.s32 $0x4600, s18  }
0xdd: {  	[hbm4b:s23+s3] =	stream.linear.scatter [tilespmem:s28], [sflag:$0x3], $0x1900, $0x38;
	[tilespmem:$0x1C800] =	vst v63  }
0xde: {  	s19 =	sadd.s32 $0x4980, s18  }
0xdf: {  	[hbm4b:s19+s3] =	stream.linear.scatter [tilespmem:s30], [sflag:$0x3], $0x1900, $0x38;
	[tilespmem:$0x1C800] =	vst v63  }
0xe0: {  	s21 =	sadd.s32 $0x4D00, s18  }
0xe1: {  	[hbm4b:s21+s3] =	stream.linear.scatter [tilespmem:s0], [sflag:$0x3], $0x1900, $0x38;
	[tilespmem:$0x1C800] =	vst v63  }
0xe2: {  	s18 =	sadd.s32 $0x5080, s18  }
0xe3: {  	[hbm4b:s18+s3] =	stream.linear.scatter [tilespmem:s6], [sflag:$0x3], $0x1900, $0x38;
	[tilespmem:$0x1C800] =	vst v63  }
0xe4: {  	_ =	swait.ge [sflag:s4], $0xC800  }
0xe5: {  	[sflag:s4] =	ssyncset.done $0x0  }
0xe6: {  	[sflag:s4] =	ssyncadd.s32 $0xFFFF3800  }
0xe7: {  	_ =	swait.ge [sflag:s5], $0x400  }
0xe8: {  	[sflag:s5] =	ssyncset.done $0x0  }
0xe9: {  	[sflag:s5] =	ssyncadd.s32 $0xFFFFFC00  }
0xea: {  	[tilespmem:s12], [sflag:$0x2] =	stream.indirect.gather [hbm4b:s1+s16], $0x80, s17, s16, $0xb8;
	[tilespmem:$0x1C800] =	vst v63  }
0xeb: {  	s22 =	simm.s32 $0x480  }
0xec: {  	[tilespmem:s13], [sflag:$0x2] =	stream.indirect.gather [hbm4b:s1+s16], $0x80, s22, s16, $0xb8;
	[tilespmem:$0x1C800] =	vst v63  }
0xed: {  	s23 =	simm.s32 $0x500  }
0xee: {  	[tilespmem:s9], [sflag:$0x2] =	stream.indirect.gather [hbm4b:s1+s16], $0x80, s23, s16, $0xb8;
	[tilespmem:$0x1C800] =	vst v63  }
0xef: {  	s25 =	simm.s32 $0x580  }
0xf0: {  	[tilespmem:s11], [sflag:$0x2] =	stream.indirect.gather [hbm4b:s1+s16], $0x80, s25, s16, $0xb8;
	[tilespmem:$0x1C800] =	vst v63  }
0xf1: {  	p0 =	sne.s32 s7, $0x65800;
	s26 =	simm.s32 $0x600  }
0xf2: {  	[tilespmem:s20], [sflag:$0x2] =	stream.indirect.gather [hbm4b:s1+s16], $0x80, s26, s16, $0xb8;
	[tilespmem:$0x1C800] =	vst v63  }
.Ltmp0:
0xf3: {  	_ = 	snop;
	(pc) =	sbr.rel @p0 .LBB2_2-.Ltmp0, $4  }
0xf4: {  	s28 =	simm.s32 $0x680  }
0xf5: {  	[tilespmem:s24], [sflag:$0x2] =	stream.indirect.gather [hbm4b:s1+s16], $0x80, s28, s16, $0xb8;
	[tilespmem:$0x1C800] =	vst v63  }
0xf6: {  	s7 =	sadd.s32 $0x3800, s7;
	s30 =	simm.s32 $0x700  }
0xf7: {  	[tilespmem:s29], [sflag:$0x2] =	stream.indirect.gather [hbm4b:s1+s16], $0x80, s30, s16, $0xb8;
	[tilespmem:$0x1C800] =	vst v63  }
0xf8: {  	s18 =	simm.s32 $0x780;
	s28 =	simm.s32 $0x1AC00  }
0xf9: {  	[tilespmem:s28], [sflag:$0x2] =	stream.indirect.gather [hbm4b:s1+s16], $0x80, s18, s16, $0xb8;
	[tilespmem:$0x1C800] =	vst v63  }
0xfa: {  	_ =	swait.ge [sflag:s31], $0xC800  }
0xfb: {  	[sflag:s31] =	ssyncset.done $0x0  }
0xfc: {  	s14 =	simm.s32 $0x400;
	s7 =	rddreg [dreg:$0x9];
	[sflag:s31] =	ssyncadd.s32 $0xFFFF3800  }
0xfd: {  	[tilespmem:s14], [sflag:$0x6] =	stream.linear.gather [hbm4b:s7+s3], $0x400, $0x38;
	[tilespmem:$0x1C800] =	vst v63  }
0xfe: {  	s12 =	simm.s32 $0xE800;
	s10 =	rddreg [dreg:$0xa]  }
0xff: {  	[hbm4b:s10+s3] =	stream.linear.scatter [tilespmem:s12], [sflag:$0x4], $0x1900, $0x38;
	[tilespmem:$0x1C800] =	vst v63  }
0x100: {  	s13 =	simm.s32 $0x10400;
	s30 =	sadd.s32 $0x380, s10  }
0x101: {  	[hbm4b:s30+s3] =	stream.linear.scatter [tilespmem:s13], [sflag:$0x4], $0x1900, $0x38;
	[tilespmem:$0x1C800] =	vst v63  }
0x102: {  	s9 =	simm.s32 $0x12000;
	s0 =	sadd.s32 $0x700, s10  }
0x103: {  	[hbm4b:s0+s3] =	stream.linear.scatter [tilespmem:s9], [sflag:$0x4], $0x1900, $0x38;
	[tilespmem:$0x1C800] =	vst v63  }
0x104: {  	s11 =	simm.s32 $0x13C00;
	s6 =	sadd.s32 $0xA80, s10  }
0x105: {  	[hbm4b:s6+s3] =	stream.linear.scatter [tilespmem:s11], [sflag:$0x4], $0x1900, $0x38;
	[tilespmem:$0x1C800] =	vst v63  }
0x106: {  	s20 =	simm.s32 $0x15800;
	s17 =	sadd.s32 $0xE00, s10  }
0x107: {  	[hbm4b:s17+s3] =	stream.linear.scatter [tilespmem:s20], [sflag:$0x4], $0x1900, $0x38;
	[tilespmem:$0x1C800] =	vst v63  }
0x108: {  	s24 =	simm.s32 $0x17400;
	s19 =	sadd.s32 $0x1180, s10  }
0x109: {  	[hbm4b:s19+s3] =	stream.linear.scatter [tilespmem:s24], [sflag:$0x4], $0x1900, $0x38;
	[tilespmem:$0x1C800] =	vst v63  }
0x10a: {  	s26 =	simm.s32 $0x19000;
	s21 =	sadd.s32 $0x1500, s10  }
0x10b: {  	[hbm4b:s21+s3] =	stream.linear.scatter [tilespmem:s26], [sflag:$0x4], $0x1900, $0x38;
	[tilespmem:$0x1C800] =	vst v63  }
0x10c: {  	s22 =	sadd.s32 $0x1880, s10  }
0x10d: {  	[hbm4b:s22+s3] =	stream.linear.scatter [tilespmem:s28], [sflag:$0x4], $0x1900, $0x38;
	[tilespmem:$0x1C800] =	vst v63  }
0x10e: {  	_ =	swait.ge [sflag:s8], $0xC800  }
0x10f: {  	[sflag:s8] =	ssyncset.done $0x0  }
0x110: {  	[sflag:s8] =	ssyncadd.s32 $0xFFFF3800  }
0x111: {  	_ =	swait.ge [sflag:s15], $0x400  }
0x112: {  	[sflag:s15] =	ssyncset.done $0x0  }
0x113: {  	s17 =	simm.s32 $0x800;
	[sflag:s15] =	ssyncadd.s32 $0xFFFFFC00  }
0x114: {  	[tilespmem:s17], [sflag:$0x1] =	stream.indirect.gather [hbm4b:s1+s16], $0x80, s3, s16, $0xb8;
	[tilespmem:$0x1C800] =	vst v63  }
0x115: {  	s23 =	simm.s32 $0x80;
	s19 =	simm.s32 $0x2400  }
0x116: {  	[tilespmem:s19], [sflag:$0x1] =	stream.indirect.gather [hbm4b:s1+s16], $0x80, s23, s16, $0xb8;
	[tilespmem:$0x1C800] =	vst v63  }
0x117: {  	s25 =	simm.s32 $0x100;
	s21 =	simm.s32 $0x4000  }
0x118: {  	[tilespmem:s21], [sflag:$0x1] =	stream.indirect.gather [hbm4b:s1+s16], $0x80, s25, s16, $0xb8;
	[tilespmem:$0x1C800] =	vst v63  }
0x119: {  	s29 =	simm.s32 $0x180;
	s22 =	simm.s32 $0x5C00  }
0x11a: {  	[tilespmem:s22], [sflag:$0x1] =	stream.indirect.gather [hbm4b:s1+s16], $0x80, s29, s16, $0xb8;
	[tilespmem:$0x1C800] =	vst v63  }
0x11b: {  	s30 =	simm.s32 $0x200;
	s23 =	simm.s32 $0x7800  }
0x11c: {  	[tilespmem:s23], [sflag:$0x1] =	stream.indirect.gather [hbm4b:s1+s16], $0x80, s30, s16, $0xb8;
	[tilespmem:$0x1C800] =	vst v63  }
0x11d: {  	s0 =	simm.s32 $0x280;
	s25 =	simm.s32 $0x9400  }
0x11e: {  	[tilespmem:s25], [sflag:$0x1] =	stream.indirect.gather [hbm4b:s1+s16], $0x80, s0, s16, $0xb8;
	[tilespmem:$0x1C800] =	vst v63  }
0x11f: {  	s6 =	simm.s32 $0x300;
	s0 =	simm.s32 $0xB000  }
0x120: {  	[tilespmem:s0], [sflag:$0x1] =	stream.indirect.gather [hbm4b:s1+s16], $0x80, s6, s16, $0xb8;
	[tilespmem:$0x1C800] =	vst v63  }
0x121: {  	s10 =	simm.s32 $0x380;
	s6 =	simm.s32 $0xCC00  }
0x122: {  	[tilespmem:s6], [sflag:$0x1] =	stream.indirect.gather [hbm4b:s1+s16], $0x80, s10, s16, $0xb8;
	[tilespmem:$0x1C800] =	vst v63  }
0x123: {  	_ =	swait.ge [sflag:s2], $0xC800  }
0x124: {  	[sflag:s2] =	ssyncset.done $0x0  }
0x125: {  	s29 =	rddreg [dreg:$0xb];
	[sflag:s2] =	ssyncadd.s32 $0xFFFF3800  }
0x126: {  	[hbm4b:s29+s3] =	stream.linear.scatter [tilespmem:s17], [sflag:$0x3], $0x1900, $0x38;
	[tilespmem:$0x1C800] =	vst v63  }
0x127: {  	s30 =	sadd.s32 $0x380, s29  }
0x128: {  	[hbm4b:s30+s3] =	stream.linear.scatter [tilespmem:s19], [sflag:$0x3], $0x1900, $0x38;
	[tilespmem:$0x1C800] =	vst v63  }
0x129: {  	s17 =	sadd.s32 $0x700, s29  }
0x12a: {  	[hbm4b:s17+s3] =	stream.linear.scatter [tilespmem:s21], [sflag:$0x3], $0x1900, $0x38;
	[tilespmem:$0x1C800] =	vst v63  }
0x12b: {  	s19 =	sadd.s32 $0xA80, s29  }
0x12c: {  	[hbm4b:s19+s3] =	stream.linear.scatter [tilespmem:s22], [sflag:$0x3], $0x1900, $0x38;
	[tilespmem:$0x1C800] =	vst v63  }
0x12d: {  	s21 =	sadd.s32 $0xE00, s29  }
0x12e: {  	[hbm4b:s21+s3] =	stream.linear.scatter [tilespmem:s23], [sflag:$0x3], $0x1900, $0x38;
	[tilespmem:$0x1C800] =	vst v63  }
0x12f: {  	s22 =	sadd.s32 $0x1180, s29  }
0x130: {  	[hbm4b:s22+s3] =	stream.linear.scatter [tilespmem:s25], [sflag:$0x3], $0x1900, $0x38;
	[tilespmem:$0x1C800] =	vst v63  }
0x131: {  	s23 =	sadd.s32 $0x1500, s29  }
0x132: {  	[hbm4b:s23+s3] =	stream.linear.scatter [tilespmem:s0], [sflag:$0x3], $0x1900, $0x38;
	[tilespmem:$0x1C800] =	vst v63  }
0x133: {  	s25 =	sadd.s32 $0x1880, s29  }
0x134: {  	[hbm4b:s25+s3] =	stream.linear.scatter [tilespmem:s6], [sflag:$0x3], $0x1900, $0x38;
	[tilespmem:$0x1C800] =	vst v63  }
0x135: {  	_ =	swait.ge [sflag:s4], $0xC800  }
0x136: {  	[sflag:s4] =	ssyncset.done $0x0  }
0x137: {  	[sflag:s4] =	ssyncadd.s32 $0xFFFF3800  }
0x138: {  	_ =	swait.ge [sflag:s5], $0x400  }
0x139: {  	[sflag:s5] =	ssyncset.done $0x0  }
0x13a: {  	[sflag:s5] =	ssyncadd.s32 $0xFFFFFC00  }
0x13b: {  	[tilespmem:s12], [sflag:$0x2] =	stream.indirect.gather [hbm4b:s1+s16], $0x80, s14, s16, $0xb8;
	[tilespmem:$0x1C800] =	vst v63  }
0x13c: {  	s29 =	simm.s32 $0x480  }
0x13d: {  	[tilespmem:s13], [sflag:$0x2] =	stream.indirect.gather [hbm4b:s1+s16], $0x80, s29, s16, $0xb8;
	[tilespmem:$0x1C800] =	vst v63  }
0x13e: {  	s30 =	simm.s32 $0x500  }
0x13f: {  	[tilespmem:s9], [sflag:$0x2] =	stream.indirect.gather [hbm4b:s1+s16], $0x80, s30, s16, $0xb8;
	[tilespmem:$0x1C800] =	vst v63  }
0x140: {  	s0 =	simm.s32 $0x580  }
0x141: {  	[tilespmem:s11], [sflag:$0x2] =	stream.indirect.gather [hbm4b:s1+s16], $0x80, s0, s16, $0xb8;
	[tilespmem:$0x1C800] =	vst v63  }
0x142: {  	s6 =	simm.s32 $0x600  }
0x143: {  	[tilespmem:s20], [sflag:$0x2] =	stream.indirect.gather [hbm4b:s1+s16], $0x80, s6, s16, $0xb8;
	[tilespmem:$0x1C800] =	vst v63  }
0x144: {  	s10 =	simm.s32 $0x680  }
0x145: {  	[tilespmem:s24], [sflag:$0x2] =	stream.indirect.gather [hbm4b:s1+s16], $0x80, s10, s16, $0xb8;
	[tilespmem:$0x1C800] =	vst v63  }
0x146: {  	s14 =	simm.s32 $0x700  }
0x147: {  	[tilespmem:s26], [sflag:$0x2] =	stream.indirect.gather [hbm4b:s1+s16], $0x80, s14, s16, $0xb8;
	[tilespmem:$0x1C800] =	vst v63  }
0x148: {  	_ = 	snop  }
0x149: {  	[tilespmem:s28], [sflag:$0x2] =	stream.indirect.gather [hbm4b:s1+s16], $0x80, s18, s16, $0xb8;
	[tilespmem:$0x1C800] =	vst v63  }
0x14a: {  	_ =	swait.ge [sflag:s31], $0xC800  }
0x14b: {  	[sflag:s31] =	ssyncset.done $0x0  }
0x14c: {  	s17 =	rddreg [dreg:$0xc];
	[sflag:s31] =	ssyncadd.s32 $0xFFFF3800  }
0x14d: {  	[hbm4b:s17+s3] =	stream.linear.scatter [tilespmem:s12], [sflag:$0x4], $0x1900, $0x38;
	[tilespmem:$0x1C800] =	vst v63  }
0x14e: {  	s18 =	sadd.s32 $0x380, s17  }
0x14f: {  	[hbm4b:s18+s3] =	stream.linear.scatter [tilespmem:s13], [sflag:$0x4], $0x1900, $0x38;
	[tilespmem:$0x1C800] =	vst v63  }
0x150: {  	s19 =	sadd.s32 $0x700, s17  }
0x151: {  	[hbm4b:s19+s3] =	stream.linear.scatter [tilespmem:s9], [sflag:$0x4], $0x1900, $0x38;
	[tilespmem:$0x1C800] =	vst v63  }
0x152: {  	s21 =	sadd.s32 $0xA80, s17  }
0x153: {  	[hbm4b:s21+s3] =	stream.linear.scatter [tilespmem:s11], [sflag:$0x4], $0x1900, $0x38;
	[tilespmem:$0x1C800] =	vst v63  }
0x154: {  	s22 =	sadd.s32 $0xE00, s17  }
0x155: {  	[hbm4b:s22+s3] =	stream.linear.scatter [tilespmem:s20], [sflag:$0x4], $0x1900, $0x38;
	[tilespmem:$0x1C800] =	vst v63  }
0x156: {  	s23 =	sadd.s32 $0x1180, s17  }
0x157: {  	[hbm4b:s23+s3] =	stream.linear.scatter [tilespmem:s24], [sflag:$0x4], $0x1900, $0x38;
	[tilespmem:$0x1C800] =	vst v63  }
0x158: {  	s25 =	sadd.s32 $0x1500, s17  }
0x159: {  	[hbm4b:s25+s3] =	stream.linear.scatter [tilespmem:s26], [sflag:$0x4], $0x1900, $0x38;
	[tilespmem:$0x1C800] =	vst v63  }
0x15a: {  	s26 =	sadd.s32 $0x1880, s17  }
0x15b: {  	[hbm4b:s26+s3] =	stream.linear.scatter [tilespmem:s28], [sflag:$0x4], $0x1900, $0x38;
	[tilespmem:$0x1C800] =	vst v63  }
0x15c: {  	_ =	swait.ge [sflag:s8], $0xC800  }
0x15d: {  	[sflag:s8] =	ssyncset.done $0x0  }
0x15e: {  	[sflag:s8] =	ssyncadd.s32 $0xFFFF3800  }
0x15f: {  	_ =	swait.ge [sflag:s4], $0xC800  }
0x160: {  	s29 =	rddreg [dreg:$0xf]  }
0x161: {  	s30 =	rddreg [dreg:$0xd];
	s0 =	sadd.s32 $0x1, s29  }
0x162: {  	p0 =	sne.s32 s0, s30  }
.Ltmp1:
0x163: {  	_ = 	snop;
	(pc) =	sbr.rel @p0 .LBB2_1-.Ltmp1, $3  }
0x164: {  	_ =	sdelay $0x1  }
0x165: {  	[sflag:s4] =	ssyncset.done $0x0  }
0x166: {  	s14 =	simm.s32 $0x780;
	[sflag:s4] =	ssyncadd.s32 $0xFFFF3800  }
0x167: {  	_ =	sfence.sel $0x180000  }
0x168: {  	[bflag:$0x0] =	sbarrier.arrive $0xFFFF  }
0x169: {  	_ =	strace $0x90000047  }
0x16a: {  	s0 =	stileid.u32;
	[bflag:$0x2] =	sbarrier.arrive $0xFFFF  }
0x16b: {  	p0 =	sne.s32 s0, $0x0;
	s0 =	rddreg [dreg:$0x3]  }
0x16c: {  	s0 =	sadd.s32 @!p0 $0x100000, s0  }
0x16d: {  	[sflag:s0] =	ssyncadd.tile.s32 @!p0 $0x1;
	_ =	shalt  }
.Lfunc_end2:
_tile_overlayer_lowered:
.L_overlay_start_2:
0x16e: {  	(tag) =	ssettag $0x2  }
0x16f: {  	s0 =	rddreg [dreg:$0x0];
	s2 =	stileid.u32  }
0x170: {  	s1 =	rddreg [dreg:$0x1];
	p0 =	sne.s32 s2, $0x0  }
0x171: {  	s3 =	rddreg [dreg:$0x2];
	[bflag:$0x3] =	sbarrier.arrive $0xFFFF;
	s2 =	simm.s32 @!p0 $0x1C07  }
0x172: {  	[timem:s3], [sflag:s2] =	dma.local @!p0 [hbm:s0], s1  }
0x173: {  	s0 =	simm.s32 @!p0 $0x7  }
0x174: {  	_ =	swait.ge @!p0 [sflag:s0], s1  }
0x175: {  	s1 =	ssub.s32 @!p0 $0x0, s1;
	[sflag:s0] =	ssyncset.done @!p0 $0x0  }
0x176: {  	[sflag:s0] =	ssyncadd.s32 @!p0 s1  }
0x177: {  	[bflag:$0x3] =	sbarrier.arrive $0xFFFF  }
0x178: {  	_ =	shalt  }

</sc_bundles>
